<compile_context>
chip_gen: v7x
topology: tpu7x:2x2x1
jax: 0.10.2.dev20260603
libtpu: 0.0.44.dev20260713+nightly
codegen_flags: <defaults>
</compile_context>

<pallas_src>
import functools

import jax
import jax.numpy as jnp
from jax import lax
from jax.experimental import pallas as pl
from jax.experimental.pallas import tpu as pltpu
from jax.experimental.pallas import tpu_sc as plsc

NUM_CLASSES = 1000
D = 128
B = 16384
L = 16
NC, NS = 2, 16
NW = NC * NS
BPW = B // NW
CHUNK = 128
NCHUNK = BPW // CHUNK


_mesh = plsc.VectorSubcoreMesh(core_axis_name="c", subcore_axis_name="s")


@functools.partial(
    pl.kernel,
    mesh=_mesh,
    out_type=jax.ShapeDtypeStruct((NW, L), jnp.float32),
    scratch_types=[
        pltpu.VMEM((BPW,), jnp.int32),
        pltpu.VMEM((CHUNK, D), jnp.float32),
        pltpu.VMEM((CHUNK, D), jnp.float32),
        pltpu.VMEM((L,), jnp.float32),
        pltpu.SemaphoreType.DMA,
    ],
)
def _center_loss_partials(feat_hbm, lbl_hbm, cent_hbm, out_hbm,
                          idx_v, rows_v, feat_v, acc_v, sem):
    wid = lax.axis_index("s") * NC + lax.axis_index("c")
    base = wid * BPW
    pltpu.sync_copy(lbl_hbm.at[pl.ds(base, BPW)], idx_v)

    acc = jnp.zeros((L,), jnp.float32)
    for ch in range(NCHUNK):
        gather = pltpu.async_copy(
            cent_hbm.at[idx_v.at[pl.ds(ch * CHUNK, CHUNK)]], rows_v, sem)
        pltpu.sync_copy(feat_hbm.at[pl.ds(base + ch * CHUNK, CHUNK)], feat_v)
        gather.wait()

        def body(r, a):
            for j in range(D // L):
                f = feat_v[r, pl.ds(j * L, L)]
                c = rows_v[r, pl.ds(j * L, L)]
                d = f - c
                a = a + d * d
            return a

        acc = lax.fori_loop(0, CHUNK, body, acc)

    acc_v[...] = acc * jnp.float32(1.0 / (B * D))
    pltpu.sync_copy(acc_v, out_hbm.at[wid])


def kernel(features, class_labels, centers):
    partials = _center_loss_partials(
        features, class_labels.astype(jnp.int32), centers)
    return jnp.sum(partials)

# --- scband reference (transcript-rebuilt; emitter-appended) ---
"""Pipeline reference for scband-center-loss-16174846837082 (READ-ONLY COPY).

The authoritative reference and input builder live on the scoring server;
editing this copy changes nothing except your own understanding.
"""

import jax, jax.numpy as jnp
import numpy as np

NUM_CLASSES = 1000
EMBED_DIM = 128
BATCH = 16384


def setup_inputs(seed: int = 0) -> dict:
    key = jax.random.key(seed)
    k1, k2, k3 = jax.random.split(key, 3)
    features = jax.random.normal(k1, (BATCH, EMBED_DIM), dtype=jnp.float32)
    class_labels = jax.random.randint(k2, (BATCH,), 0, NUM_CLASSES, dtype=jnp.int64 if jax.config.jax_enable_x64 else jnp.int32)
    # xavier_normal_: std = sqrt(2 / (fan_in + fan_out)) = sqrt(2 / (num_classes + embedding_dim))
    std = (2.0 / (NUM_CLASSES + EMBED_DIM)) ** 0.5
    centers = jax.random.normal(k3, (NUM_CLASSES, EMBED_DIM), dtype=jnp.float32) * std
    return {"features": features, "class_labels": class_labels, "centers": centers}


def reference(features, class_labels, centers):
    # centers = self.centers[class_labels]  -> gather rows by label
    gathered = jnp.take(centers, class_labels, axis=0)
    # nn.MSELoss() default reduction='mean'
    loss = jnp.mean((features - gathered) ** 2)
    return loss

if __name__ == "__main__":
    import jax
    _d = setup_inputs()
    print(jax.jit(kernel)(*tuple(_d.values())))

</pallas_src>

<mosaic_0001>
#map = affine_map<(d0, d1) -> (0, 0)>
#map1 = affine_map<(d0, d1) -> (0)>
module attributes {stable_mosaic.version = 14 : i64} {
  func.func @_center_loss_partials(%arg0: i32, %arg1: i32, %arg2: memref<16384x128xf32, #tpu.memory_space<hbm>>, %arg3: memref<16384xi32, #tpu.memory_space<hbm>>, %arg4: memref<1000x128xf32, #tpu.memory_space<hbm>>, %arg5: memref<32x16xf32, #tpu.memory_space<hbm>>, %arg6: memref<512xi32, #tpu.memory_space<vmem>>, %arg7: memref<128x128xf32, #tpu.memory_space<vmem>>, %arg8: memref<128x128xf32, #tpu.memory_space<vmem>>, %arg9: memref<16xf32, #tpu.memory_space<vmem>>, %arg10: memref<!tpu.dma_semaphore, #tpu.memory_space<semaphore_mem>>) attributes {dimension_semantics = [#tpu.dimension_semantics<core_parallel>, #tpu.dimension_semantics<subcore_parallel>], iteration_bounds = array<i64: 2, 16>, scalar_prefetch = 0 : i64, scratch_operands = 5 : i64, tpu.core_type = #tpu.core_type<sc_vector_subcore>, window_params = [{transform_indices = #map}, {transform_indices = #map1}, {transform_indices = #map}, {transform_indices = #map}]} {
    %mul3A = arith.constant 2 : i32
    %mul3A_0 = arith.muli %arg1, %mul3A : i32
    %add3A = arith.addi %mul3A_0, %arg0 : i32
    %mul3A_1 = arith.constant 512 : i32
    %mul3A_2 = arith.muli %add3A, %mul3A_1 : i32
    "tpu.region"() ({
      %run_scoped3A = tpu.sem_alloc : memref<!tpu.dma_semaphore, #tpu.memory_space<semaphore_mem>>
      %dma_start3A_79 = tpu.memref_slice %arg3[%mul3A_2] : memref<16384xi32, #tpu.memory_space<hbm>> -> memref<512xi32, #tpu.memory_space<hbm>>
      %dma_start3A_80 = tpu.memref_slice %arg3[%mul3A_2] : memref<16384xi32, #tpu.memory_space<hbm>> -> memref<512xi32, #tpu.memory_space<hbm>>
      tpu.enqueue_dma source(%dma_start3A_80 : memref<512xi32, #tpu.memory_space<hbm>>) target(%arg6 : memref<512xi32, #tpu.memory_space<vmem>>) target_semaphore(%run_scoped3A : memref<!tpu.dma_semaphore, #tpu.memory_space<semaphore_mem>>)
      %dma_wait3A_81 = tpu.memref_slice %arg3[%mul3A_2] : memref<16384xi32, #tpu.memory_space<hbm>> -> memref<512xi32, #tpu.memory_space<hbm>>
      %dma_wait3A_82 = tpu.memref_slice %arg3[%mul3A_2] : memref<16384xi32, #tpu.memory_space<hbm>> -> memref<512xi32, #tpu.memory_space<hbm>>
      tpu.wait_dma2 semaphore(%run_scoped3A : memref<!tpu.dma_semaphore, #tpu.memory_space<semaphore_mem>>) src(%dma_wait3A_82 : memref<512xi32, #tpu.memory_space<hbm>>) dst(%arg6 : memref<512xi32, #tpu.memory_space<vmem>>)
      tpu.yield
    }) : () -> ()
    %broadcast_in_dim3A = arith.constant 0.000000e+00 : f32
    %broadcast_in_dim3A_3 = vector.broadcast %broadcast_in_dim3A : f32 to vector<16xf32>
    %dma_start3A = arith.constant 0 : i32
    %dma_start3A_4 = tpu.memref_slice %arg6[%dma_start3A] : memref<512xi32, #tpu.memory_space<vmem>> -> memref<128xi32, #tpu.memory_space<vmem>>
    %dma_start3A_5 = arith.constant 0 : i32
    %dma_start3A_6 = arith.constant 0 : i32
    %dma_start3A_7 = tpu.memref_slice %arg4[%dma_start3A_5, %dma_start3A_6] : memref<1000x128xf32, #tpu.memory_space<hbm>> -> memref<1000x128xf32, #tpu.memory_space<hbm>>
    tpu.enqueue_indirect_dma source(%dma_start3A_7 : memref<1000x128xf32, #tpu.memory_space<hbm>>) target(%arg7 : memref<128x128xf32, #tpu.memory_space<vmem>>) offsets(%dma_start3A_4 : memref<128xi32, #tpu.memory_space<vmem>>) semaphore(%arg10 : memref<!tpu.dma_semaphore, #tpu.memory_space<semaphore_mem>>)
    %add3A_8 = arith.constant 0 : i32
    %add3A_9 = arith.addi %mul3A_2, %add3A_8 : i32
    "tpu.region"() ({
      %run_scoped3A = tpu.sem_alloc : memref<!tpu.dma_semaphore, #tpu.memory_space<semaphore_mem>>
      %dma_start3A_79 = arith.constant 0 : i32
      %dma_start3A_80 = tpu.memref_slice %arg2[%add3A_9, %dma_start3A_79] : memref<16384x128xf32, #tpu.memory_space<hbm>> -> memref<128x128xf32, #tpu.memory_space<hbm>>
      %dma_start3A_81 = arith.constant 0 : i32
      %dma_start3A_82 = tpu.memref_slice %arg2[%add3A_9, %dma_start3A_81] : memref<16384x128xf32, #tpu.memory_space<hbm>> -> memref<128x128xf32, #tpu.memory_space<hbm>>
      tpu.enqueue_dma source(%dma_start3A_82 : memref<128x128xf32, #tpu.memory_space<hbm>>) target(%arg8 : memref<128x128xf32, #tpu.memory_space<vmem>>) target_semaphore(%run_scoped3A : memref<!tpu.dma_semaphore, #tpu.memory_space<semaphore_mem>>)
      %dma_wait3A_83 = arith.constant 0 : i32
      %dma_wait3A_84 = tpu.memref_slice %arg2[%add3A_9, %dma_wait3A_83] : memref<16384x128xf32, #tpu.memory_space<hbm>> -> memref<128x128xf32, #tpu.memory_space<hbm>>
      %dma_wait3A_85 = arith.constant 0 : i32
      %dma_wait3A_86 = tpu.memref_slice %arg2[%add3A_9, %dma_wait3A_85] : memref<16384x128xf32, #tpu.memory_space<hbm>> -> memref<128x128xf32, #tpu.memory_space<hbm>>
      tpu.wait_dma2 semaphore(%run_scoped3A : memref<!tpu.dma_semaphore, #tpu.memory_space<semaphore_mem>>) src(%dma_wait3A_86 : memref<128x128xf32, #tpu.memory_space<hbm>>) dst(%arg8 : memref<128x128xf32, #tpu.memory_space<vmem>>)
      tpu.yield
    }) : () -> ()
    %dma_wait3A = arith.constant 0 : i32
    %dma_wait3A_10 = tpu.memref_slice %arg6[%dma_wait3A] : memref<512xi32, #tpu.memory_space<vmem>> -> memref<128xi32, #tpu.memory_space<vmem>>
    %dma_wait3A_11 = arith.constant 0 : i32
    %dma_wait3A_12 = arith.constant 0 : i32
    %dma_wait3A_13 = tpu.memref_slice %arg4[%dma_wait3A_11, %dma_wait3A_12] : memref<1000x128xf32, #tpu.memory_space<hbm>> -> memref<1000x128xf32, #tpu.memory_space<hbm>>
    tpu.wait_indirect_dma semaphore(%arg10 : memref<!tpu.dma_semaphore, #tpu.memory_space<semaphore_mem>>) src(%dma_wait3A_13 : memref<1000x128xf32, #tpu.memory_space<hbm>>) dst(%arg7 : memref<128x128xf32, #tpu.memory_space<vmem>>)
    %scan3A = arith.constant 0 : i32
    %scan3A_14 = arith.constant 128 : i32
    %scan3A_15 = arith.addi %scan3A, %scan3A_14 : i32
    %scan3A_16 = arith.constant 1 : i32
    %scan3A_17 = scf.for %scan3A_79 = %scan3A to %scan3A_15 step %scan3A_16 iter_args(%scan3A_80 = %broadcast_in_dim3A_3) -> (vector<16xf32>)  : i32 {
      %get3A = arith.index_cast %scan3A_79 : i32 to index
      %get3A_81 = arith.constant 0 : index
      %get3A_82 = tpu.vector_load %arg8[%get3A, %get3A_81] {strides = array<i32>} : memref<128x128xf32, #tpu.memory_space<vmem>>, vector<1x16xf32>,
      %get3A_83 = vector.shape_cast %get3A_82 : vector<1x16xf32> to vector<16xf32>
      %get3A_84 = arith.index_cast %scan3A_79 : i32 to index
      %get3A_85 = arith.constant 0 : index
      %get3A_86 = tpu.vector_load %arg7[%get3A_84, %get3A_85] {strides = array<i32>} : memref<128x128xf32, #tpu.memory_space<vmem>>, vector<1x16xf32>,
      %get3A_87 = vector.shape_cast %get3A_86 : vector<1x16xf32> to vector<16xf32>
      %sub3A = arith.subf %get3A_83, %get3A_87 : vector<16xf32>
      %mul3A_88 = arith.mulf %sub3A, %sub3A : vector<16xf32>
      %add3A_89 = arith.addf %scan3A_80, %mul3A_88 : vector<16xf32>
      %get3A_90 = arith.index_cast %scan3A_79 : i32 to index
      %get3A_91 = arith.constant 16 : index
      %get3A_92 = tpu.vector_load %arg8[%get3A_90, %get3A_91] {strides = array<i32>} : memref<128x128xf32, #tpu.memory_space<vmem>>, vector<1x16xf32>,
      %get3A_93 = vector.shape_cast %get3A_92 : vector<1x16xf32> to vector<16xf32>
      %get3A_94 = arith.index_cast %scan3A_79 : i32 to index
      %get3A_95 = arith.constant 16 : index
      %get3A_96 = tpu.vector_load %arg7[%get3A_94, %get3A_95] {strides = array<i32>} : memref<128x128xf32, #tpu.memory_space<vmem>>, vector<1x16xf32>,
      %get3A_97 = vector.shape_cast %get3A_96 : vector<1x16xf32> to vector<16xf32>
      %sub3A_98 = arith.subf %get3A_93, %get3A_97 : vector<16xf32>
      %mul3A_99 = arith.mulf %sub3A_98, %sub3A_98 : vector<16xf32>
      %add3A_100 = arith.addf %add3A_89, %mul3A_99 : vector<16xf32>
      %get3A_101 = arith.index_cast %scan3A_79 : i32 to index
      %get3A_102 = arith.constant 32 : index
      %get3A_103 = tpu.vector_load %arg8[%get3A_101, %get3A_102] {strides = array<i32>} : memref<128x128xf32, #tpu.memory_space<vmem>>, vector<1x16xf32>,
      %get3A_104 = vector.shape_cast %get3A_103 : vector<1x16xf32> to vector<16xf32>
      %get3A_105 = arith.index_cast %scan3A_79 : i32 to index
      %get3A_106 = arith.constant 32 : index
      %get3A_107 = tpu.vector_load %arg7[%get3A_105, %get3A_106] {strides = array<i32>} : memref<128x128xf32, #tpu.memory_space<vmem>>, vector<1x16xf32>,
      %get3A_108 = vector.shape_cast %get3A_107 : vector<1x16xf32> to vector<16xf32>
      %sub3A_109 = arith.subf %get3A_104, %get3A_108 : vector<16xf32>
      %mul3A_110 = arith.mulf %sub3A_109, %sub3A_109 : vector<16xf32>
      %add3A_111 = arith.addf %add3A_100, %mul3A_110 : vector<16xf32>
      %get3A_112 = arith.index_cast %scan3A_79 : i32 to index
      %get3A_113 = arith.constant 48 : index
      %get3A_114 = tpu.vector_load %arg8[%get3A_112, %get3A_113] {strides = array<i32>} : memref<128x128xf32, #tpu.memory_space<vmem>>, vector<1x16xf32>,
      %get3A_115 = vector.shape_cast %get3A_114 : vector<1x16xf32> to vector<16xf32>
      %get3A_116 = arith.index_cast %scan3A_79 : i32 to index
      %get3A_117 = arith.constant 48 : index
      %get3A_118 = tpu.vector_load %arg7[%get3A_116, %get3A_117] {strides = array<i32>} : memref<128x128xf32, #tpu.memory_space<vmem>>, vector<1x16xf32>,
      %get3A_119 = vector.shape_cast %get3A_118 : vector<1x16xf32> to vector<16xf32>
      %sub3A_120 = arith.subf %get3A_115, %get3A_119 : vector<16xf32>
      %mul3A_121 = arith.mulf %sub3A_120, %sub3A_120 : vector<16xf32>
      %add3A_122 = arith.addf %add3A_111, %mul3A_121 : vector<16xf32>
      %get3A_123 = arith.index_cast %scan3A_79 : i32 to index
      %get3A_124 = arith.constant 64 : index
      %get3A_125 = tpu.vector_load %arg8[%get3A_123, %get3A_124] {strides = array<i32>} : memref<128x128xf32, #tpu.memory_space<vmem>>, vector<1x16xf32>,
      %get3A_126 = vector.shape_cast %get3A_125 : vector<1x16xf32> to vector<16xf32>
      %get3A_127 = arith.index_cast %scan3A_79 : i32 to index
      %get3A_128 = arith.constant 64 : index
      %get3A_129 = tpu.vector_load %arg7[%get3A_127, %get3A_128] {strides = array<i32>} : memref<128x128xf32, #tpu.memory_space<vmem>>, vector<1x16xf32>,
      %get3A_130 = vector.shape_cast %get3A_129 : vector<1x16xf32> to vector<16xf32>
      %sub3A_131 = arith.subf %get3A_126, %get3A_130 : vector<16xf32>
      %mul3A_132 = arith.mulf %sub3A_131, %sub3A_131 : vector<16xf32>
      %add3A_133 = arith.addf %add3A_122, %mul3A_132 : vector<16xf32>
      %get3A_134 = arith.index_cast %scan3A_79 : i32 to index
      %get3A_135 = arith.constant 80 : index
      %get3A_136 = tpu.vector_load %arg8[%get3A_134, %get3A_135] {strides = array<i32>} : memref<128x128xf32, #tpu.memory_space<vmem>>, vector<1x16xf32>,
      %get3A_137 = vector.shape_cast %get3A_136 : vector<1x16xf32> to vector<16xf32>
      %get3A_138 = arith.index_cast %scan3A_79 : i32 to index
      %get3A_139 = arith.constant 80 : index
      %get3A_140 = tpu.vector_load %arg7[%get3A_138, %get3A_139] {strides = array<i32>} : memref<128x128xf32, #tpu.memory_space<vmem>>, vector<1x16xf32>,
      %get3A_141 = vector.shape_cast %get3A_140 : vector<1x16xf32> to vector<16xf32>
      %sub3A_142 = arith.subf %get3A_137, %get3A_141 : vector<16xf32>
      %mul3A_143 = arith.mulf %sub3A_142, %sub3A_142 : vector<16xf32>
      %add3A_144 = arith.addf %add3A_133, %mul3A_143 : vector<16xf32>
      %get3A_145 = arith.index_cast %scan3A_79 : i32 to index
      %get3A_146 = arith.constant 96 : index
      %get3A_147 = tpu.vector_load %arg8[%get3A_145, %get3A_146] {strides = array<i32>} : memref<128x128xf32, #tpu.memory_space<vmem>>, vector<1x16xf32>,
      %get3A_148 = vector.shape_cast %get3A_147 : vector<1x16xf32> to vector<16xf32>
      %get3A_149 = arith.index_cast %scan3A_79 : i32 to index
      %get3A_150 = arith.constant 96 : index
      %get3A_151 = tpu.vector_load %arg7[%get3A_149, %get3A_150] {strides = array<i32>} : memref<128x128xf32, #tpu.memory_space<vmem>>, vector<1x16xf32>,
      %get3A_152 = vector.shape_cast %get3A_151 : vector<1x16xf32> to vector<16xf32>
      %sub3A_153 = arith.subf %get3A_148, %get3A_152 : vector<16xf32>
      %mul3A_154 = arith.mulf %sub3A_153, %sub3A_153 : vector<16xf32>
      %add3A_155 = arith.addf %add3A_144, %mul3A_154 : vector<16xf32>
      %get3A_156 = arith.index_cast %scan3A_79 : i32 to index
      %get3A_157 = arith.constant 112 : index
      %get3A_158 = tpu.vector_load %arg8[%get3A_156, %get3A_157] {strides = array<i32>} : memref<128x128xf32, #tpu.memory_space<vmem>>, vector<1x16xf32>,
      %get3A_159 = vector.shape_cast %get3A_158 : vector<1x16xf32> to vector<16xf32>
      %get3A_160 = arith.index_cast %scan3A_79 : i32 to index
      %get3A_161 = arith.constant 112 : index
      %get3A_162 = tpu.vector_load %arg7[%get3A_160, %get3A_161] {strides = array<i32>} : memref<128x128xf32, #tpu.memory_space<vmem>>, vector<1x16xf32>,
      %get3A_163 = vector.shape_cast %get3A_162 : vector<1x16xf32> to vector<16xf32>
      %sub3A_164 = arith.subf %get3A_159, %get3A_163 : vector<16xf32>
      %mul3A_165 = arith.mulf %sub3A_164, %sub3A_164 : vector<16xf32>
      %add3A_166 = arith.addf %add3A_155, %mul3A_165 : vector<16xf32>
      scf.yield %add3A_166 : vector<16xf32>
    }
    %scan3A_18 = arith.constant 128 : i32
    %dma_start3A_19 = arith.constant 128 : i32
    %dma_start3A_20 = tpu.memref_slice %arg6[%dma_start3A_19] : memref<512xi32, #tpu.memory_space<vmem>> -> memref<128xi32, #tpu.memory_space<vmem>>
    %dma_start3A_21 = arith.constant 0 : i32
    %dma_start3A_22 = arith.constant 0 : i32
    %dma_start3A_23 = tpu.memref_slice %arg4[%dma_start3A_21, %dma_start3A_22] : memref<1000x128xf32, #tpu.memory_space<hbm>> -> memref<1000x128xf32, #tpu.memory_space<hbm>>
    tpu.enqueue_indirect_dma source(%dma_start3A_23 : memref<1000x128xf32, #tpu.memory_space<hbm>>) target(%arg7 : memref<128x128xf32, #tpu.memory_space<vmem>>) offsets(%dma_start3A_20 : memref<128xi32, #tpu.memory_space<vmem>>) semaphore(%arg10 : memref<!tpu.dma_semaphore, #tpu.memory_space<semaphore_mem>>)
    %add3A_24 = arith.constant 128 : i32
    %add3A_25 = arith.addi %mul3A_2, %add3A_24 : i32
    "tpu.region"() ({
      %run_scoped3A = tpu.sem_alloc : memref<!tpu.dma_semaphore, #tpu.memory_space<semaphore_mem>>
      %dma_start3A_79 = arith.constant 0 : i32
      %dma_start3A_80 = tpu.memref_slice %arg2[%add3A_25, %dma_start3A_79] : memref<16384x128xf32, #tpu.memory_space<hbm>> -> memref<128x128xf32, #tpu.memory_space<hbm>>
      %dma_start3A_81 = arith.constant 0 : i32
      %dma_start3A_82 = tpu.memref_slice %arg2[%add3A_25, %dma_start3A_81] : memref<16384x128xf32, #tpu.memory_space<hbm>> -> memref<128x128xf32, #tpu.memory_space<hbm>>
      tpu.enqueue_dma source(%dma_start3A_82 : memref<128x128xf32, #tpu.memory_space<hbm>>) target(%arg8 : memref<128x128xf32, #tpu.memory_space<vmem>>) target_semaphore(%run_scoped3A : memref<!tpu.dma_semaphore, #tpu.memory_space<semaphore_mem>>)
      %dma_wait3A_83 = arith.constant 0 : i32
      %dma_wait3A_84 = tpu.memref_slice %arg2[%add3A_25, %dma_wait3A_83] : memref<16384x128xf32, #tpu.memory_space<hbm>> -> memref<128x128xf32, #tpu.memory_space<hbm>>
      %dma_wait3A_85 = arith.constant 0 : i32
      %dma_wait3A_86 = tpu.memref_slice %arg2[%add3A_25, %dma_wait3A_85] : memref<16384x128xf32, #tpu.memory_space<hbm>> -> memref<128x128xf32, #tpu.memory_space<hbm>>
      tpu.wait_dma2 semaphore(%run_scoped3A : memref<!tpu.dma_semaphore, #tpu.memory_space<semaphore_mem>>) src(%dma_wait3A_86 : memref<128x128xf32, #tpu.memory_space<hbm>>) dst(%arg8 : memref<128x128xf32, #tpu.memory_space<vmem>>)
      tpu.yield
    }) : () -> ()
    %dma_wait3A_26 = arith.constant 128 : i32
    %dma_wait3A_27 = tpu.memref_slice %arg6[%dma_wait3A_26] : memref<512xi32, #tpu.memory_space<vmem>> -> memref<128xi32, #tpu.memory_space<vmem>>
    %dma_wait3A_28 = arith.constant 0 : i32
    %dma_wait3A_29 = arith.constant 0 : i32
    %dma_wait3A_30 = tpu.memref_slice %arg4[%dma_wait3A_28, %dma_wait3A_29] : memref<1000x128xf32, #tpu.memory_space<hbm>> -> memref<1000x128xf32, #tpu.memory_space<hbm>>
    tpu.wait_indirect_dma semaphore(%arg10 : memref<!tpu.dma_semaphore, #tpu.memory_space<semaphore_mem>>) src(%dma_wait3A_30 : memref<1000x128xf32, #tpu.memory_space<hbm>>) dst(%arg7 : memref<128x128xf32, #tpu.memory_space<vmem>>)
    %scan3A_31 = arith.constant 0 : i32
    %scan3A_32 = arith.constant 128 : i32
    %scan3A_33 = arith.addi %scan3A_31, %scan3A_32 : i32
    %scan3A_34 = arith.constant 1 : i32
    %scan3A_35 = scf.for %scan3A_79 = %scan3A_31 to %scan3A_33 step %scan3A_34 iter_args(%scan3A_80 = %scan3A_17) -> (vector<16xf32>)  : i32 {
      %get3A = arith.index_cast %scan3A_79 : i32 to index
      %get3A_81 = arith.constant 0 : index
      %get3A_82 = tpu.vector_load %arg8[%get3A, %get3A_81] {strides = array<i32>} : memref<128x128xf32, #tpu.memory_space<vmem>>, vector<1x16xf32>,
      %get3A_83 = vector.shape_cast %get3A_82 : vector<1x16xf32> to vector<16xf32>
      %get3A_84 = arith.index_cast %scan3A_79 : i32 to index
      %get3A_85 = arith.constant 0 : index
      %get3A_86 = tpu.vector_load %arg7[%get3A_84, %get3A_85] {strides = array<i32>} : memref<128x128xf32, #tpu.memory_space<vmem>>, vector<1x16xf32>,
      %get3A_87 = vector.shape_cast %get3A_86 : vector<1x16xf32> to vector<16xf32>
      %sub3A = arith.subf %get3A_83, %get3A_87 : vector<16xf32>
      %mul3A_88 = arith.mulf %sub3A, %sub3A : vector<16xf32>
      %add3A_89 = arith.addf %scan3A_80, %mul3A_88 : vector<16xf32>
      %get3A_90 = arith.index_cast %scan3A_79 : i32 to index
      %get3A_91 = arith.constant 16 : index
      %get3A_92 = tpu.vector_load %arg8[%get3A_90, %get3A_91] {strides = array<i32>} : memref<128x128xf32, #tpu.memory_space<vmem>>, vector<1x16xf32>,
      %get3A_93 = vector.shape_cast %get3A_92 : vector<1x16xf32> to vector<16xf32>
      %get3A_94 = arith.index_cast %scan3A_79 : i32 to index
      %get3A_95 = arith.constant 16 : index
      %get3A_96 = tpu.vector_load %arg7[%get3A_94, %get3A_95] {strides = array<i32>} : memref<128x128xf32, #tpu.memory_space<vmem>>, vector<1x16xf32>,
      %get3A_97 = vector.shape_cast %get3A_96 : vector<1x16xf32> to vector<16xf32>
      %sub3A_98 = arith.subf %get3A_93, %get3A_97 : vector<16xf32>
      %mul3A_99 = arith.mulf %sub3A_98, %sub3A_98 : vector<16xf32>
      %add3A_100 = arith.addf %add3A_89, %mul3A_99 : vector<16xf32>
      %get3A_101 = arith.index_cast %scan3A_79 : i32 to index
      %get3A_102 = arith.constant 32 : index
      %get3A_103 = tpu.vector_load %arg8[%get3A_101, %get3A_102] {strides = array<i32>} : memref<128x128xf32, #tpu.memory_space<vmem>>, vector<1x16xf32>,
      %get3A_104 = vector.shape_cast %get3A_103 : vector<1x16xf32> to vector<16xf32>
      %get3A_105 = arith.index_cast %scan3A_79 : i32 to index
      %get3A_106 = arith.constant 32 : index
      %get3A_107 = tpu.vector_load %arg7[%get3A_105, %get3A_106] {strides = array<i32>} : memref<128x128xf32, #tpu.memory_space<vmem>>, vector<1x16xf32>,
      %get3A_108 = vector.shape_cast %get3A_107 : vector<1x16xf32> to vector<16xf32>
      %sub3A_109 = arith.subf %get3A_104, %get3A_108 : vector<16xf32>
      %mul3A_110 = arith.mulf %sub3A_109, %sub3A_109 : vector<16xf32>
      %add3A_111 = arith.addf %add3A_100, %mul3A_110 : vector<16xf32>
      %get3A_112 = arith.index_cast %scan3A_79 : i32 to index
      %get3A_113 = arith.constant 48 : index
      %get3A_114 = tpu.vector_load %arg8[%get3A_112, %get3A_113] {strides = array<i32>} : memref<128x128xf32, #tpu.memory_space<vmem>>, vector<1x16xf32>,
      %get3A_115 = vector.shape_cast %get3A_114 : vector<1x16xf32> to vector<16xf32>
      %get3A_116 = arith.index_cast %scan3A_79 : i32 to index
      %get3A_117 = arith.constant 48 : index
      %get3A_118 = tpu.vector_load %arg7[%get3A_116, %get3A_117] {strides = array<i32>} : memref<128x128xf32, #tpu.memory_space<vmem>>, vector<1x16xf32>,
      %get3A_119 = vector.shape_cast %get3A_118 : vector<1x16xf32> to vector<16xf32>
      %sub3A_120 = arith.subf %get3A_115, %get3A_119 : vector<16xf32>
      %mul3A_121 = arith.mulf %sub3A_120, %sub3A_120 : vector<16xf32>
      %add3A_122 = arith.addf %add3A_111, %mul3A_121 : vector<16xf32>
      %get3A_123 = arith.index_cast %scan3A_79 : i32 to index
      %get3A_124 = arith.constant 64 : index
      %get3A_125 = tpu.vector_load %arg8[%get3A_123, %get3A_124] {strides = array<i32>} : memref<128x128xf32, #tpu.memory_space<vmem>>, vector<1x16xf32>,
      %get3A_126 = vector.shape_cast %get3A_125 : vector<1x16xf32> to vector<16xf32>
      %get3A_127 = arith.index_cast %scan3A_79 : i32 to index
      %get3A_128 = arith.constant 64 : index
      %get3A_129 = tpu.vector_load %arg7[%get3A_127, %get3A_128] {strides = array<i32>} : memref<128x128xf32, #tpu.memory_space<vmem>>, vector<1x16xf32>,
      %get3A_130 = vector.shape_cast %get3A_129 : vector<1x16xf32> to vector<16xf32>
      %sub3A_131 = arith.subf %get3A_126, %get3A_130 : vector<16xf32>
      %mul3A_132 = arith.mulf %sub3A_131, %sub3A_131 : vector<16xf32>
      %add3A_133 = arith.addf %add3A_122, %mul3A_132 : vector<16xf32>
      %get3A_134 = arith.index_cast %scan3A_79 : i32 to index
      %get3A_135 = arith.constant 80 : index
      %get3A_136 = tpu.vector_load %arg8[%get3A_134, %get3A_135] {strides = array<i32>} : memref<128x128xf32, #tpu.memory_space<vmem>>, vector<1x16xf32>,
      %get3A_137 = vector.shape_cast %get3A_136 : vector<1x16xf32> to vector<16xf32>
      %get3A_138 = arith.index_cast %scan3A_79 : i32 to index
      %get3A_139 = arith.constant 80 : index
      %get3A_140 = tpu.vector_load %arg7[%get3A_138, %get3A_139] {strides = array<i32>} : memref<128x128xf32, #tpu.memory_space<vmem>>, vector<1x16xf32>,
      %get3A_141 = vector.shape_cast %get3A_140 : vector<1x16xf32> to vector<16xf32>
      %sub3A_142 = arith.subf %get3A_137, %get3A_141 : vector<16xf32>
      %mul3A_143 = arith.mulf %sub3A_142, %sub3A_142 : vector<16xf32>
      %add3A_144 = arith.addf %add3A_133, %mul3A_143 : vector<16xf32>
      %get3A_145 = arith.index_cast %scan3A_79 : i32 to index
      %get3A_146 = arith.constant 96 : index
      %get3A_147 = tpu.vector_load %arg8[%get3A_145, %get3A_146] {strides = array<i32>} : memref<128x128xf32, #tpu.memory_space<vmem>>, vector<1x16xf32>,
      %get3A_148 = vector.shape_cast %get3A_147 : vector<1x16xf32> to vector<16xf32>
      %get3A_149 = arith.index_cast %scan3A_79 : i32 to index
      %get3A_150 = arith.constant 96 : index
      %get3A_151 = tpu.vector_load %arg7[%get3A_149, %get3A_150] {strides = array<i32>} : memref<128x128xf32, #tpu.memory_space<vmem>>, vector<1x16xf32>,
      %get3A_152 = vector.shape_cast %get3A_151 : vector<1x16xf32> to vector<16xf32>
      %sub3A_153 = arith.subf %get3A_148, %get3A_152 : vector<16xf32>
      %mul3A_154 = arith.mulf %sub3A_153, %sub3A_153 : vector<16xf32>
      %add3A_155 = arith.addf %add3A_144, %mul3A_154 : vector<16xf32>
      %get3A_156 = arith.index_cast %scan3A_79 : i32 to index
      %get3A_157 = arith.constant 112 : index
      %get3A_158 = tpu.vector_load %arg8[%get3A_156, %get3A_157] {strides = array<i32>} : memref<128x128xf32, #tpu.memory_space<vmem>>, vector<1x16xf32>,
      %get3A_159 = vector.shape_cast %get3A_158 : vector<1x16xf32> to vector<16xf32>
      %get3A_160 = arith.index_cast %scan3A_79 : i32 to index
      %get3A_161 = arith.constant 112 : index
      %get3A_162 = tpu.vector_load %arg7[%get3A_160, %get3A_161] {strides = array<i32>} : memref<128x128xf32, #tpu.memory_space<vmem>>, vector<1x16xf32>,
      %get3A_163 = vector.shape_cast %get3A_162 : vector<1x16xf32> to vector<16xf32>
      %sub3A_164 = arith.subf %get3A_159, %get3A_163 : vector<16xf32>
      %mul3A_165 = arith.mulf %sub3A_164, %sub3A_164 : vector<16xf32>
      %add3A_166 = arith.addf %add3A_155, %mul3A_165 : vector<16xf32>
      scf.yield %add3A_166 : vector<16xf32>
    }
    %scan3A_36 = arith.constant 128 : i32
    %dma_start3A_37 = arith.constant 256 : i32
    %dma_start3A_38 = tpu.memref_slice %arg6[%dma_start3A_37] : memref<512xi32, #tpu.memory_space<vmem>> -> memref<128xi32, #tpu.memory_space<vmem>>
    %dma_start3A_39 = arith.constant 0 : i32
    %dma_start3A_40 = arith.constant 0 : i32
    %dma_start3A_41 = tpu.memref_slice %arg4[%dma_start3A_39, %dma_start3A_40] : memref<1000x128xf32, #tpu.memory_space<hbm>> -> memref<1000x128xf32, #tpu.memory_space<hbm>>
    tpu.enqueue_indirect_dma source(%dma_start3A_41 : memref<1000x128xf32, #tpu.memory_space<hbm>>) target(%arg7 : memref<128x128xf32, #tpu.memory_space<vmem>>) offsets(%dma_start3A_38 : memref<128xi32, #tpu.memory_space<vmem>>) semaphore(%arg10 : memref<!tpu.dma_semaphore, #tpu.memory_space<semaphore_mem>>)
    %add3A_42 = arith.constant 256 : i32
    %add3A_43 = arith.addi %mul3A_2, %add3A_42 : i32
    "tpu.region"() ({
      %run_scoped3A = tpu.sem_alloc : memref<!tpu.dma_semaphore, #tpu.memory_space<semaphore_mem>>
      %dma_start3A_79 = arith.constant 0 : i32
      %dma_start3A_80 = tpu.memref_slice %arg2[%add3A_43, %dma_start3A_79] : memref<16384x128xf32, #tpu.memory_space<hbm>> -> memref<128x128xf32, #tpu.memory_space<hbm>>
      %dma_start3A_81 = arith.constant 0 : i32
      %dma_start3A_82 = tpu.memref_slice %arg2[%add3A_43, %dma_start3A_81] : memref<16384x128xf32, #tpu.memory_space<hbm>> -> memref<128x128xf32, #tpu.memory_space<hbm>>
      tpu.enqueue_dma source(%dma_start3A_82 : memref<128x128xf32, #tpu.memory_space<hbm>>) target(%arg8 : memref<128x128xf32, #tpu.memory_space<vmem>>) target_semaphore(%run_scoped3A : memref<!tpu.dma_semaphore, #tpu.memory_space<semaphore_mem>>)
      %dma_wait3A_83 = arith.constant 0 : i32
      %dma_wait3A_84 = tpu.memref_slice %arg2[%add3A_43, %dma_wait3A_83] : memref<16384x128xf32, #tpu.memory_space<hbm>> -> memref<128x128xf32, #tpu.memory_space<hbm>>
      %dma_wait3A_85 = arith.constant 0 : i32
      %dma_wait3A_86 = tpu.memref_slice %arg2[%add3A_43, %dma_wait3A_85] : memref<16384x128xf32, #tpu.memory_space<hbm>> -> memref<128x128xf32, #tpu.memory_space<hbm>>
      tpu.wait_dma2 semaphore(%run_scoped3A : memref<!tpu.dma_semaphore, #tpu.memory_space<semaphore_mem>>) src(%dma_wait3A_86 : memref<128x128xf32, #tpu.memory_space<hbm>>) dst(%arg8 : memref<128x128xf32, #tpu.memory_space<vmem>>)
      tpu.yield
    }) : () -> ()
    %dma_wait3A_44 = arith.constant 256 : i32
    %dma_wait3A_45 = tpu.memref_slice %arg6[%dma_wait3A_44] : memref<512xi32, #tpu.memory_space<vmem>> -> memref<128xi32, #tpu.memory_space<vmem>>
    %dma_wait3A_46 = arith.constant 0 : i32
    %dma_wait3A_47 = arith.constant 0 : i32
    %dma_wait3A_48 = tpu.memref_slice %arg4[%dma_wait3A_46, %dma_wait3A_47] : memref<1000x128xf32, #tpu.memory_space<hbm>> -> memref<1000x128xf32, #tpu.memory_space<hbm>>
    tpu.wait_indirect_dma semaphore(%arg10 : memref<!tpu.dma_semaphore, #tpu.memory_space<semaphore_mem>>) src(%dma_wait3A_48 : memref<1000x128xf32, #tpu.memory_space<hbm>>) dst(%arg7 : memref<128x128xf32, #tpu.memory_space<vmem>>)
    %scan3A_49 = arith.constant 0 : i32
    %scan3A_50 = arith.constant 128 : i32
    %scan3A_51 = arith.addi %scan3A_49, %scan3A_50 : i32
    %scan3A_52 = arith.constant 1 : i32
    %scan3A_53 = scf.for %scan3A_79 = %scan3A_49 to %scan3A_51 step %scan3A_52 iter_args(%scan3A_80 = %scan3A_35) -> (vector<16xf32>)  : i32 {
      %get3A = arith.index_cast %scan3A_79 : i32 to index
      %get3A_81 = arith.constant 0 : index
      %get3A_82 = tpu.vector_load %arg8[%get3A, %get3A_81] {strides = array<i32>} : memref<128x128xf32, #tpu.memory_space<vmem>>, vector<1x16xf32>,
      %get3A_83 = vector.shape_cast %get3A_82 : vector<1x16xf32> to vector<16xf32>
      %get3A_84 = arith.index_cast %scan3A_79 : i32 to index
      %get3A_85 = arith.constant 0 : index
      %get3A_86 = tpu.vector_load %arg7[%get3A_84, %get3A_85] {strides = array<i32>} : memref<128x128xf32, #tpu.memory_space<vmem>>, vector<1x16xf32>,
      %get3A_87 = vector.shape_cast %get3A_86 : vector<1x16xf32> to vector<16xf32>
      %sub3A = arith.subf %get3A_83, %get3A_87 : vector<16xf32>
      %mul3A_88 = arith.mulf %sub3A, %sub3A : vector<16xf32>
      %add3A_89 = arith.addf %scan3A_80, %mul3A_88 : vector<16xf32>
      %get3A_90 = arith.index_cast %scan3A_79 : i32 to index
      %get3A_91 = arith.constant 16 : index
      %get3A_92 = tpu.vector_load %arg8[%get3A_90, %get3A_91] {strides = array<i32>} : memref<128x128xf32, #tpu.memory_space<vmem>>, vector<1x16xf32>,
      %get3A_93 = vector.shape_cast %get3A_92 : vector<1x16xf32> to vector<16xf32>
      %get3A_94 = arith.index_cast %scan3A_79 : i32 to index
      %get3A_95 = arith.constant 16 : index
      %get3A_96 = tpu.vector_load %arg7[%get3A_94, %get3A_95] {strides = array<i32>} : memref<128x128xf32, #tpu.memory_space<vmem>>, vector<1x16xf32>,
      %get3A_97 = vector.shape_cast %get3A_96 : vector<1x16xf32> to vector<16xf32>
      %sub3A_98 = arith.subf %get3A_93, %get3A_97 : vector<16xf32>
      %mul3A_99 = arith.mulf %sub3A_98, %sub3A_98 : vector<16xf32>
      %add3A_100 = arith.addf %add3A_89, %mul3A_99 : vector<16xf32>
      %get3A_101 = arith.index_cast %scan3A_79 : i32 to index
      %get3A_102 = arith.constant 32 : index
      %get3A_103 = tpu.vector_load %arg8[%get3A_101, %get3A_102] {strides = array<i32>} : memref<128x128xf32, #tpu.memory_space<vmem>>, vector<1x16xf32>,
      %get3A_104 = vector.shape_cast %get3A_103 : vector<1x16xf32> to vector<16xf32>
      %get3A_105 = arith.index_cast %scan3A_79 : i32 to index
      %get3A_106 = arith.constant 32 : index
      %get3A_107 = tpu.vector_load %arg7[%get3A_105, %get3A_106] {strides = array<i32>} : memref<128x128xf32, #tpu.memory_space<vmem>>, vector<1x16xf32>,
      %get3A_108 = vector.shape_cast %get3A_107 : vector<1x16xf32> to vector<16xf32>
      %sub3A_109 = arith.subf %get3A_104, %get3A_108 : vector<16xf32>
      %mul3A_110 = arith.mulf %sub3A_109, %sub3A_109 : vector<16xf32>
      %add3A_111 = arith.addf %add3A_100, %mul3A_110 : vector<16xf32>
      %get3A_112 = arith.index_cast %scan3A_79 : i32 to index
      %get3A_113 = arith.constant 48 : index
      %get3A_114 = tpu.vector_load %arg8[%get3A_112, %get3A_113] {strides = array<i32>} : memref<128x128xf32, #tpu.memory_space<vmem>>, vector<1x16xf32>,
      %get3A_115 = vector.shape_cast %get3A_114 : vector<1x16xf32> to vector<16xf32>
      %get3A_116 = arith.index_cast %scan3A_79 : i32 to index
      %get3A_117 = arith.constant 48 : index
      %get3A_118 = tpu.vector_load %arg7[%get3A_116, %get3A_117] {strides = array<i32>} : memref<128x128xf32, #tpu.memory_space<vmem>>, vector<1x16xf32>,
      %get3A_119 = vector.shape_cast %get3A_118 : vector<1x16xf32> to vector<16xf32>
      %sub3A_120 = arith.subf %get3A_115, %get3A_119 : vector<16xf32>
      %mul3A_121 = arith.mulf %sub3A_120, %sub3A_120 : vector<16xf32>
      %add3A_122 = arith.addf %add3A_111, %mul3A_121 : vector<16xf32>
      %get3A_123 = arith.index_cast %scan3A_79 : i32 to index
      %get3A_124 = arith.constant 64 : index
      %get3A_125 = tpu.vector_load %arg8[%get3A_123, %get3A_124] {strides = array<i32>} : memref<128x128xf32, #tpu.memory_space<vmem>>, vector<1x16xf32>,
      %get3A_126 = vector.shape_cast %get3A_125 : vector<1x16xf32> to vector<16xf32>
      %get3A_127 = arith.index_cast %scan3A_79 : i32 to index
      %get3A_128 = arith.constant 64 : index
      %get3A_129 = tpu.vector_load %arg7[%get3A_127, %get3A_128] {strides = array<i32>} : memref<128x128xf32, #tpu.memory_space<vmem>>, vector<1x16xf32>,
      %get3A_130 = vector.shape_cast %get3A_129 : vector<1x16xf32> to vector<16xf32>
      %sub3A_131 = arith.subf %get3A_126, %get3A_130 : vector<16xf32>
      %mul3A_132 = arith.mulf %sub3A_131, %sub3A_131 : vector<16xf32>
      %add3A_133 = arith.addf %add3A_122, %mul3A_132 : vector<16xf32>
      %get3A_134 = arith.index_cast %scan3A_79 : i32 to index
      %get3A_135 = arith.constant 80 : index
      %get3A_136 = tpu.vector_load %arg8[%get3A_134, %get3A_135] {strides = array<i32>} : memref<128x128xf32, #tpu.memory_space<vmem>>, vector<1x16xf32>,
      %get3A_137 = vector.shape_cast %get3A_136 : vector<1x16xf32> to vector<16xf32>
      %get3A_138 = arith.index_cast %scan3A_79 : i32 to index
      %get3A_139 = arith.constant 80 : index
      %get3A_140 = tpu.vector_load %arg7[%get3A_138, %get3A_139] {strides = array<i32>} : memref<128x128xf32, #tpu.memory_space<vmem>>, vector<1x16xf32>,
      %get3A_141 = vector.shape_cast %get3A_140 : vector<1x16xf32> to vector<16xf32>
      %sub3A_142 = arith.subf %get3A_137, %get3A_141 : vector<16xf32>
      %mul3A_143 = arith.mulf %sub3A_142, %sub3A_142 : vector<16xf32>
      %add3A_144 = arith.addf %add3A_133, %mul3A_143 : vector<16xf32>
      %get3A_145 = arith.index_cast %scan3A_79 : i32 to index
      %get3A_146 = arith.constant 96 : index
      %get3A_147 = tpu.vector_load %arg8[%get3A_145, %get3A_146] {strides = array<i32>} : memref<128x128xf32, #tpu.memory_space<vmem>>, vector<1x16xf32>,
      %get3A_148 = vector.shape_cast %get3A_147 : vector<1x16xf32> to vector<16xf32>
      %get3A_149 = arith.index_cast %scan3A_79 : i32 to index
      %get3A_150 = arith.constant 96 : index
      %get3A_151 = tpu.vector_load %arg7[%get3A_149, %get3A_150] {strides = array<i32>} : memref<128x128xf32, #tpu.memory_space<vmem>>, vector<1x16xf32>,
      %get3A_152 = vector.shape_cast %get3A_151 : vector<1x16xf32> to vector<16xf32>
      %sub3A_153 = arith.subf %get3A_148, %get3A_152 : vector<16xf32>
      %mul3A_154 = arith.mulf %sub3A_153, %sub3A_153 : vector<16xf32>
      %add3A_155 = arith.addf %add3A_144, %mul3A_154 : vector<16xf32>
      %get3A_156 = arith.index_cast %scan3A_79 : i32 to index
      %get3A_157 = arith.constant 112 : index
      %get3A_158 = tpu.vector_load %arg8[%get3A_156, %get3A_157] {strides = array<i32>} : memref<128x128xf32, #tpu.memory_space<vmem>>, vector<1x16xf32>,
      %get3A_159 = vector.shape_cast %get3A_158 : vector<1x16xf32> to vector<16xf32>
      %get3A_160 = arith.index_cast %scan3A_79 : i32 to index
      %get3A_161 = arith.constant 112 : index
      %get3A_162 = tpu.vector_load %arg7[%get3A_160, %get3A_161] {strides = array<i32>} : memref<128x128xf32, #tpu.memory_space<vmem>>, vector<1x16xf32>,
      %get3A_163 = vector.shape_cast %get3A_162 : vector<1x16xf32> to vector<16xf32>
      %sub3A_164 = arith.subf %get3A_159, %get3A_163 : vector<16xf32>
      %mul3A_165 = arith.mulf %sub3A_164, %sub3A_164 : vector<16xf32>
      %add3A_166 = arith.addf %add3A_155, %mul3A_165 : vector<16xf32>
      scf.yield %add3A_166 : vector<16xf32>
    }
    %scan3A_54 = arith.constant 128 : i32
    %dma_start3A_55 = arith.constant 384 : i32
    %dma_start3A_56 = tpu.memref_slice %arg6[%dma_start3A_55] : memref<512xi32, #tpu.memory_space<vmem>> -> memref<128xi32, #tpu.memory_space<vmem>>
    %dma_start3A_57 = arith.constant 0 : i32
    %dma_start3A_58 = arith.constant 0 : i32
    %dma_start3A_59 = tpu.memref_slice %arg4[%dma_start3A_57, %dma_start3A_58] : memref<1000x128xf32, #tpu.memory_space<hbm>> -> memref<1000x128xf32, #tpu.memory_space<hbm>>
    tpu.enqueue_indirect_dma source(%dma_start3A_59 : memref<1000x128xf32, #tpu.memory_space<hbm>>) target(%arg7 : memref<128x128xf32, #tpu.memory_space<vmem>>) offsets(%dma_start3A_56 : memref<128xi32, #tpu.memory_space<vmem>>) semaphore(%arg10 : memref<!tpu.dma_semaphore, #tpu.memory_space<semaphore_mem>>)
    %add3A_60 = arith.constant 384 : i32
    %add3A_61 = arith.addi %mul3A_2, %add3A_60 : i32
    "tpu.region"() ({
      %run_scoped3A = tpu.sem_alloc : memref<!tpu.dma_semaphore, #tpu.memory_space<semaphore_mem>>
      %dma_start3A_79 = arith.constant 0 : i32
      %dma_start3A_80 = tpu.memref_slice %arg2[%add3A_61, %dma_start3A_79] : memref<16384x128xf32, #tpu.memory_space<hbm>> -> memref<128x128xf32, #tpu.memory_space<hbm>>
      %dma_start3A_81 = arith.constant 0 : i32
      %dma_start3A_82 = tpu.memref_slice %arg2[%add3A_61, %dma_start3A_81] : memref<16384x128xf32, #tpu.memory_space<hbm>> -> memref<128x128xf32, #tpu.memory_space<hbm>>
      tpu.enqueue_dma source(%dma_start3A_82 : memref<128x128xf32, #tpu.memory_space<hbm>>) target(%arg8 : memref<128x128xf32, #tpu.memory_space<vmem>>) target_semaphore(%run_scoped3A : memref<!tpu.dma_semaphore, #tpu.memory_space<semaphore_mem>>)
      %dma_wait3A_83 = arith.constant 0 : i32
      %dma_wait3A_84 = tpu.memref_slice %arg2[%add3A_61, %dma_wait3A_83] : memref<16384x128xf32, #tpu.memory_space<hbm>> -> memref<128x128xf32, #tpu.memory_space<hbm>>
      %dma_wait3A_85 = arith.constant 0 : i32
      %dma_wait3A_86 = tpu.memref_slice %arg2[%add3A_61, %dma_wait3A_85] : memref<16384x128xf32, #tpu.memory_space<hbm>> -> memref<128x128xf32, #tpu.memory_space<hbm>>
      tpu.wait_dma2 semaphore(%run_scoped3A : memref<!tpu.dma_semaphore, #tpu.memory_space<semaphore_mem>>) src(%dma_wait3A_86 : memref<128x128xf32, #tpu.memory_space<hbm>>) dst(%arg8 : memref<128x128xf32, #tpu.memory_space<vmem>>)
      tpu.yield
    }) : () -> ()
    %dma_wait3A_62 = arith.constant 384 : i32
    %dma_wait3A_63 = tpu.memref_slice %arg6[%dma_wait3A_62] : memref<512xi32, #tpu.memory_space<vmem>> -> memref<128xi32, #tpu.memory_space<vmem>>
    %dma_wait3A_64 = arith.constant 0 : i32
    %dma_wait3A_65 = arith.constant 0 : i32
    %dma_wait3A_66 = tpu.memref_slice %arg4[%dma_wait3A_64, %dma_wait3A_65] : memref<1000x128xf32, #tpu.memory_space<hbm>> -> memref<1000x128xf32, #tpu.memory_space<hbm>>
    tpu.wait_indirect_dma semaphore(%arg10 : memref<!tpu.dma_semaphore, #tpu.memory_space<semaphore_mem>>) src(%dma_wait3A_66 : memref<1000x128xf32, #tpu.memory_space<hbm>>) dst(%arg7 : memref<128x128xf32, #tpu.memory_space<vmem>>)
    %scan3A_67 = arith.constant 0 : i32
    %scan3A_68 = arith.constant 128 : i32
    %scan3A_69 = arith.addi %scan3A_67, %scan3A_68 : i32
    %scan3A_70 = arith.constant 1 : i32
    %scan3A_71 = scf.for %scan3A_79 = %scan3A_67 to %scan3A_69 step %scan3A_70 iter_args(%scan3A_80 = %scan3A_53) -> (vector<16xf32>)  : i32 {
      %get3A = arith.index_cast %scan3A_79 : i32 to index
      %get3A_81 = arith.constant 0 : index
      %get3A_82 = tpu.vector_load %arg8[%get3A, %get3A_81] {strides = array<i32>} : memref<128x128xf32, #tpu.memory_space<vmem>>, vector<1x16xf32>,
      %get3A_83 = vector.shape_cast %get3A_82 : vector<1x16xf32> to vector<16xf32>
      %get3A_84 = arith.index_cast %scan3A_79 : i32 to index
      %get3A_85 = arith.constant 0 : index
      %get3A_86 = tpu.vector_load %arg7[%get3A_84, %get3A_85] {strides = array<i32>} : memref<128x128xf32, #tpu.memory_space<vmem>>, vector<1x16xf32>,
      %get3A_87 = vector.shape_cast %get3A_86 : vector<1x16xf32> to vector<16xf32>
      %sub3A = arith.subf %get3A_83, %get3A_87 : vector<16xf32>
      %mul3A_88 = arith.mulf %sub3A, %sub3A : vector<16xf32>
      %add3A_89 = arith.addf %scan3A_80, %mul3A_88 : vector<16xf32>
      %get3A_90 = arith.index_cast %scan3A_79 : i32 to index
      %get3A_91 = arith.constant 16 : index
      %get3A_92 = tpu.vector_load %arg8[%get3A_90, %get3A_91] {strides = array<i32>} : memref<128x128xf32, #tpu.memory_space<vmem>>, vector<1x16xf32>,
      %get3A_93 = vector.shape_cast %get3A_92 : vector<1x16xf32> to vector<16xf32>
      %get3A_94 = arith.index_cast %scan3A_79 : i32 to index
      %get3A_95 = arith.constant 16 : index
      %get3A_96 = tpu.vector_load %arg7[%get3A_94, %get3A_95] {strides = array<i32>} : memref<128x128xf32, #tpu.memory_space<vmem>>, vector<1x16xf32>,
      %get3A_97 = vector.shape_cast %get3A_96 : vector<1x16xf32> to vector<16xf32>
      %sub3A_98 = arith.subf %get3A_93, %get3A_97 : vector<16xf32>
      %mul3A_99 = arith.mulf %sub3A_98, %sub3A_98 : vector<16xf32>
      %add3A_100 = arith.addf %add3A_89, %mul3A_99 : vector<16xf32>
      %get3A_101 = arith.index_cast %scan3A_79 : i32 to index
      %get3A_102 = arith.constant 32 : index
      %get3A_103 = tpu.vector_load %arg8[%get3A_101, %get3A_102] {strides = array<i32>} : memref<128x128xf32, #tpu.memory_space<vmem>>, vector<1x16xf32>,
      %get3A_104 = vector.shape_cast %get3A_103 : vector<1x16xf32> to vector<16xf32>
      %get3A_105 = arith.index_cast %scan3A_79 : i32 to index
      %get3A_106 = arith.constant 32 : index
      %get3A_107 = tpu.vector_load %arg7[%get3A_105, %get3A_106] {strides = array<i32>} : memref<128x128xf32, #tpu.memory_space<vmem>>, vector<1x16xf32>,
      %get3A_108 = vector.shape_cast %get3A_107 : vector<1x16xf32> to vector<16xf32>
      %sub3A_109 = arith.subf %get3A_104, %get3A_108 : vector<16xf32>
      %mul3A_110 = arith.mulf %sub3A_109, %sub3A_109 : vector<16xf32>
      %add3A_111 = arith.addf %add3A_100, %mul3A_110 : vector<16xf32>
      %get3A_112 = arith.index_cast %scan3A_79 : i32 to index
      %get3A_113 = arith.constant 48 : index
      %get3A_114 = tpu.vector_load %arg8[%get3A_112, %get3A_113] {strides = array<i32>} : memref<128x128xf32, #tpu.memory_space<vmem>>, vector<1x16xf32>,
      %get3A_115 = vector.shape_cast %get3A_114 : vector<1x16xf32> to vector<16xf32>
      %get3A_116 = arith.index_cast %scan3A_79 : i32 to index
      %get3A_117 = arith.constant 48 : index
      %get3A_118 = tpu.vector_load %arg7[%get3A_116, %get3A_117] {strides = array<i32>} : memref<128x128xf32, #tpu.memory_space<vmem>>, vector<1x16xf32>,
      %get3A_119 = vector.shape_cast %get3A_118 : vector<1x16xf32> to vector<16xf32>
      %sub3A_120 = arith.subf %get3A_115, %get3A_119 : vector<16xf32>
      %mul3A_121 = arith.mulf %sub3A_120, %sub3A_120 : vector<16xf32>
      %add3A_122 = arith.addf %add3A_111, %mul3A_121 : vector<16xf32>
      %get3A_123 = arith.index_cast %scan3A_79 : i32 to index
      %get3A_124 = arith.constant 64 : index
      %get3A_125 = tpu.vector_load %arg8[%get3A_123, %get3A_124] {strides = array<i32>} : memref<128x128xf32, #tpu.memory_space<vmem>>, vector<1x16xf32>,
      %get3A_126 = vector.shape_cast %get3A_125 : vector<1x16xf32> to vector<16xf32>
      %get3A_127 = arith.index_cast %scan3A_79 : i32 to index
      %get3A_128 = arith.constant 64 : index
      %get3A_129 = tpu.vector_load %arg7[%get3A_127, %get3A_128] {strides = array<i32>} : memref<128x128xf32, #tpu.memory_space<vmem>>, vector<1x16xf32>,
      %get3A_130 = vector.shape_cast %get3A_129 : vector<1x16xf32> to vector<16xf32>
      %sub3A_131 = arith.subf %get3A_126, %get3A_130 : vector<16xf32>
      %mul3A_132 = arith.mulf %sub3A_131, %sub3A_131 : vector<16xf32>
      %add3A_133 = arith.addf %add3A_122, %mul3A_132 : vector<16xf32>
      %get3A_134 = arith.index_cast %scan3A_79 : i32 to index
      %get3A_135 = arith.constant 80 : index
      %get3A_136 = tpu.vector_load %arg8[%get3A_134, %get3A_135] {strides = array<i32>} : memref<128x128xf32, #tpu.memory_space<vmem>>, vector<1x16xf32>,
      %get3A_137 = vector.shape_cast %get3A_136 : vector<1x16xf32> to vector<16xf32>
      %get3A_138 = arith.index_cast %scan3A_79 : i32 to index
      %get3A_139 = arith.constant 80 : index
      %get3A_140 = tpu.vector_load %arg7[%get3A_138, %get3A_139] {strides = array<i32>} : memref<128x128xf32, #tpu.memory_space<vmem>>, vector<1x16xf32>,
      %get3A_141 = vector.shape_cast %get3A_140 : vector<1x16xf32> to vector<16xf32>
      %sub3A_142 = arith.subf %get3A_137, %get3A_141 : vector<16xf32>
      %mul3A_143 = arith.mulf %sub3A_142, %sub3A_142 : vector<16xf32>
      %add3A_144 = arith.addf %add3A_133, %mul3A_143 : vector<16xf32>
      %get3A_145 = arith.index_cast %scan3A_79 : i32 to index
      %get3A_146 = arith.constant 96 : index
      %get3A_147 = tpu.vector_load %arg8[%get3A_145, %get3A_146] {strides = array<i32>} : memref<128x128xf32, #tpu.memory_space<vmem>>, vector<1x16xf32>,
      %get3A_148 = vector.shape_cast %get3A_147 : vector<1x16xf32> to vector<16xf32>
      %get3A_149 = arith.index_cast %scan3A_79 : i32 to index
      %get3A_150 = arith.constant 96 : index
      %get3A_151 = tpu.vector_load %arg7[%get3A_149, %get3A_150] {strides = array<i32>} : memref<128x128xf32, #tpu.memory_space<vmem>>, vector<1x16xf32>,
      %get3A_152 = vector.shape_cast %get3A_151 : vector<1x16xf32> to vector<16xf32>
      %sub3A_153 = arith.subf %get3A_148, %get3A_152 : vector<16xf32>
      %mul3A_154 = arith.mulf %sub3A_153, %sub3A_153 : vector<16xf32>
      %add3A_155 = arith.addf %add3A_144, %mul3A_154 : vector<16xf32>
      %get3A_156 = arith.index_cast %scan3A_79 : i32 to index
      %get3A_157 = arith.constant 112 : index
      %get3A_158 = tpu.vector_load %arg8[%get3A_156, %get3A_157] {strides = array<i32>} : memref<128x128xf32, #tpu.memory_space<vmem>>, vector<1x16xf32>,
      %get3A_159 = vector.shape_cast %get3A_158 : vector<1x16xf32> to vector<16xf32>
      %get3A_160 = arith.index_cast %scan3A_79 : i32 to index
      %get3A_161 = arith.constant 112 : index
      %get3A_162 = tpu.vector_load %arg7[%get3A_160, %get3A_161] {strides = array<i32>} : memref<128x128xf32, #tpu.memory_space<vmem>>, vector<1x16xf32>,
      %get3A_163 = vector.shape_cast %get3A_162 : vector<1x16xf32> to vector<16xf32>
      %sub3A_164 = arith.subf %get3A_159, %get3A_163 : vector<16xf32>
      %mul3A_165 = arith.mulf %sub3A_164, %sub3A_164 : vector<16xf32>
      %add3A_166 = arith.addf %add3A_155, %mul3A_165 : vector<16xf32>
      scf.yield %add3A_166 : vector<16xf32>
    }
    %scan3A_72 = arith.constant 128 : i32
    %mul3A_73 = arith.constant 4.76837158E-7 : f32
    %mul3A_74 = vector.broadcast %mul3A_73 : f32 to vector<16xf32>
    %mul3A_75 = arith.mulf %scan3A_71, %mul3A_74 : vector<16xf32>
    %swap3A = arith.constant 0 : index
    %swap3A_76 = tpu.vector_load %arg9[%swap3A] {strides = array<i32>} : memref<16xf32, #tpu.memory_space<vmem>>, vector<16xf32>,
    %swap3A_77 = vector.shape_cast %swap3A_76 : vector<16xf32> to vector<16xf32>
    %swap3A_78 = vector.shape_cast %mul3A_75 : vector<16xf32> to vector<16xf32>
    tpu.vector_store %arg9[%swap3A], %swap3A_78 {strides = array<i32>} : memref<16xf32, #tpu.memory_space<vmem>>, vector<16xf32>,
    "tpu.region"() ({
      %run_scoped3A = tpu.sem_alloc : memref<!tpu.dma_semaphore, #tpu.memory_space<semaphore_mem>>
      %dma_start3A_79 = arith.constant 0 : i32
      %dma_start3A_80 = tpu.memref_slice %arg5[%add3A, %dma_start3A_79] : memref<32x16xf32, #tpu.memory_space<hbm>> -> memref<1x16xf32, #tpu.memory_space<hbm>>
      %dma_start3A_81 = tpu.memref_squeeze %dma_start3A_80 : memref<1x16xf32, #tpu.memory_space<hbm>> -> memref<16xf32, #tpu.memory_space<hbm>>
      %dma_start3A_82 = arith.constant 0 : i32
      %dma_start3A_83 = tpu.memref_slice %arg5[%add3A, %dma_start3A_82] : memref<32x16xf32, #tpu.memory_space<hbm>> -> memref<1x16xf32, #tpu.memory_space<hbm>>
      %dma_start3A_84 = tpu.memref_squeeze %dma_start3A_83 : memref<1x16xf32, #tpu.memory_space<hbm>> -> memref<16xf32, #tpu.memory_space<hbm>>
      tpu.enqueue_dma source(%arg9 : memref<16xf32, #tpu.memory_space<vmem>>) target(%dma_start3A_84 : memref<16xf32, #tpu.memory_space<hbm>>) target_semaphore(%run_scoped3A : memref<!tpu.dma_semaphore, #tpu.memory_space<semaphore_mem>>)
      %dma_wait3A_85 = arith.constant 0 : i32
      %dma_wait3A_86 = tpu.memref_slice %arg5[%add3A, %dma_wait3A_85] : memref<32x16xf32, #tpu.memory_space<hbm>> -> memref<1x16xf32, #tpu.memory_space<hbm>>
      %dma_wait3A_87 = tpu.memref_squeeze %dma_wait3A_86 : memref<1x16xf32, #tpu.memory_space<hbm>> -> memref<16xf32, #tpu.memory_space<hbm>>
      %dma_wait3A_88 = arith.constant 0 : i32
      %dma_wait3A_89 = tpu.memref_slice %arg5[%add3A, %dma_wait3A_88] : memref<32x16xf32, #tpu.memory_space<hbm>> -> memref<1x16xf32, #tpu.memory_space<hbm>>
      %dma_wait3A_90 = tpu.memref_squeeze %dma_wait3A_89 : memref<1x16xf32, #tpu.memory_space<hbm>> -> memref<16xf32, #tpu.memory_space<hbm>>
      tpu.wait_dma2 semaphore(%run_scoped3A : memref<!tpu.dma_semaphore, #tpu.memory_space<semaphore_mem>>) src(%arg9 : memref<16xf32, #tpu.memory_space<vmem>>) dst(%dma_wait3A_90 : memref<16xf32, #tpu.memory_space<hbm>>)
      tpu.yield
    }) : () -> ()
    return
  }
}

</mosaic_0001>

<sc_bundles>
// kernel: kernel.3.cloned.1.call-start
scs
__scs_entry_jumppad:
0x0: {  	(pc) =	sbr.rel $0x88, $3  }
0x1: {  	(tag) =	ssettag $0x0;
	lr =	simm.s32 $0x1  }
0x2: {  	[smem:$0x3F9E] =	sst lr;
	_ =	strace $0xD0000000  }
0x3: {  	_ = 	snop  }
0x4: {  	_ = 	snop  }
0x5: {  	_ = 	snop  }
0x6: {  	_ = 	snop  }
0x7: {  	_ = 	snop  }
__scs_overlays_trampoline_lowered:
0x8: {  	[smem:$0x3FAD] =	sst s0  }
0x9: {  	[smem:$0x3FAE] =	sst s1  }
0xa: {  	[smem:$0x3FAF] =	sst s2  }
0xb: {  	[smem:$0x3FB0] =	sst s3  }
0xc: {  	[smem:$0x3FB1] =	sst s4  }
0xd: {  	[smem:$0x3FB2] =	sst s5  }
0xe: {  	[smem:$0x3FB3] =	sst s6  }
0xf: {  	[smem:$0x3FB4] =	sst s7  }
0x10: {  	[smem:$0x3FB5] =	sst s8  }
0x11: {  	[smem:$0x3FB6] =	sst s9;
	s0 =	simm.s32 @!p0 $0x0  }
0x12: {  	s1 =	sld [smem:$0x3F9C];
	s0 =	simm.s32 @p0 $0x1  }
0x13: {  	[smem:$0x3FB7] =	sst s0;
	s0 =	simm.s32 @!p1 $0x0  }
0x14: {  	s2 =	sld [smem:$0x3F9B];
	s0 =	simm.s32 @p1 $0x1  }
0x15: {  	[smem:$0x3FB8] =	sst s0;
	s0 =	simm.s32 @!p2 $0x0  }
0x16: {  	s3 =	sld [smem:$0x3FDB];
	s0 =	simm.s32 @p2 $0x1  }
0x17: {  	s4 =	simm.s32 $0x1BF5;
	[smem:$0x3FBA] =	sst s0  }
0x18: {  	s0 =	sld [smem:$0x3F9D];
	_ =	swait.ge [sflag:s4], $0x0  }
0x19: {  	s7 =	sld [smem:$0x3F9E]  }
0x1a: {  	s8 =	sadd.s32 $0xFFFFE003, lr  }
0x1b: {  	s9 =	sadd.s32 $0xFFFFFEF7, lr;
	s5 =	simm.s32 $0xFFFFFFFF;
	p2 =	slt.u32 s8, $0xFFFFF086  }
0x1c: {  	p1 =	slt.u32 s9, $0xF7A;
	s5 =	simm.s32 @!p2 $0x0  }
0x1d: {  	s5 =	simm.s32 @p1 $0x1;
	p0 =	seq.s32 s7, s2  }
0x1e: {  	s7 =	smul.u32 @!p0 $0xF7A, s2;
	p2 =	seq.s32 @!p0 s5, $0x0  }
0x1f: {  	s9 =	smul.u32 $0xF7A, s1;
	s8 =	simm.s32 @!p0 $0x1BF5;
	p2 =	por !p2, p0  }
0x20: {  	[sflag:s8] =	ssyncset.s32 @!p0 $0xFFFFF086;
	s6 =	sadd.s32 @!p0 s3, s7;
	s7 =	simm.s32 @!p0 $0x108  }
0x21: {  	s3 =	sadd.s32 s3, s9;
	s6 =	sadd.s32 @!p0 $0x88, s6;
	s7 =	simm.s32 @p2 $0x1082  }
0x22: {  	[simem:s7], [sflag:s8] =	dma.local @!p0 [hbm:s6], $0xF7A  }
0x23: {  	s9 =	sor.u32 $0xD0000000, s2;
	s6 =	simm.s32 $0x108;
	_ =	swait.ge @!p0 [sflag:s8], $0x0  }
0x24: {  	s3 =	sadd.s32 $0x88, s3;
	s6 =	simm.s32 @!p1 $0x1082;
	[sflag:s4] =	ssyncset.s32 $0xFFFFF086  }
0x25: {  	[simem:s6], [sflag:s4] =	dma.local [hbm:s3], $0xF7A  }
0x26: {  	[smem:$0x3F9E] =	sst s1;
	(tag) =	ssettag s2;
	_ =	strace s9  }
0x27: {  	s1 =	sld [smem:$0x3FAE]  }
0x28: {  	s2 =	sld [smem:$0x3FAF]  }
0x29: {  	s4 =	sld [smem:$0x3FB1]  }
0x2a: {  	p0 =	seq.s32 s5, $0x0;
	s5 =	sld [smem:$0x3FB2]  }
0x2b: {  	s6 =	sld [smem:$0x3FB3]  }
0x2c: {  	s7 =	sld [smem:$0x3FB4]  }
0x2d: {  	s3 =	simm.s32 $0x108;
	s8 =	sld [smem:$0x3FB5]  }
0x2e: {  	s3 =	simm.s32 @!p0 $0x1082;
	s9 =	sld [smem:$0x3FB6]  }
0x2f: {  	lr =	sadd.s32 s0, s3;
	s0 =	sld [smem:$0x3FAD]  }
0x30: {  	s3 =	sld [smem:$0x3FB0]  }
0x31: {  	[smem:$0x3FB9] =	sst s10  }
0x32: {  	s10 =	sld [smem:$0x3FB7];
	_ =	sdelay $0x3  }
0x33: {  	p0 =	seq.s32 s10, $0x1;
	s10 =	sld [smem:$0x3FB9];
	_ =	sdelay $0x3  }
0x34: {  	[smem:$0x3FB9] =	sst s10  }
0x35: {  	s10 =	sld [smem:$0x3FB8];
	_ =	sdelay $0x3  }
0x36: {  	p1 =	seq.s32 s10, $0x1;
	s10 =	sld [smem:$0x3FB9];
	_ =	sdelay $0x3  }
0x37: {  	[smem:$0x3FB9] =	sst s10  }
0x38: {  	s10 =	sld [smem:$0x3FBA]  }
0x39: {  	_ = 	snop;
	(pc) =	sbr.ind lr, $3  }
0x3a: {  	_ = 	snop  }
0x3b: {  	_ = 	snop  }
0x3c: {  	p2 =	seq.s32 s10, $0x1;
	s10 =	sld [smem:$0x3FB9]  }
0x3d: {  	_ =	shalt  }
0x3e: {  	_ =	shalt  }
0x3f: {  	_ =	shalt  }
0x40: {  	_ =	shalt  }
0x41: {  	_ =	shalt  }
0x42: {  	_ =	shalt  }
0x43: {  	_ =	shalt  }
0x44: {  	_ =	shalt  }
0x45: {  	_ =	shalt  }
0x46: {  	_ =	shalt  }
0x47: {  	_ =	shalt  }
0x48: {  	_ =	shalt  }
0x49: {  	_ =	shalt  }
0x4a: {  	_ =	shalt  }
0x4b: {  	_ =	shalt  }
0x4c: {  	_ =	shalt  }
0x4d: {  	_ =	shalt  }
0x4e: {  	_ =	shalt  }
0x4f: {  	_ =	shalt  }
0x50: {  	_ =	shalt  }
0x51: {  	_ =	shalt  }
0x52: {  	_ =	shalt  }
0x53: {  	_ =	shalt  }
0x54: {  	_ =	shalt  }
0x55: {  	_ =	shalt  }
0x56: {  	_ =	shalt  }
0x57: {  	_ =	shalt  }
0x58: {  	_ =	shalt  }
0x59: {  	_ =	shalt  }
0x5a: {  	_ =	shalt  }
0x5b: {  	_ =	shalt  }
0x5c: {  	_ =	shalt  }
0x5d: {  	_ =	shalt  }
0x5e: {  	_ =	shalt  }
0x5f: {  	_ =	shalt  }
0x60: {  	_ =	shalt  }
0x61: {  	_ =	shalt  }
0x62: {  	_ =	shalt  }
0x63: {  	_ =	shalt  }
0x64: {  	_ =	shalt  }
0x65: {  	_ =	shalt  }
0x66: {  	_ =	shalt  }
0x67: {  	_ =	shalt  }
0x68: {  	_ =	shalt  }
0x69: {  	_ =	shalt  }
0x6a: {  	_ =	shalt  }
0x6b: {  	_ =	shalt  }
0x6c: {  	_ =	shalt  }
0x6d: {  	_ =	shalt  }
0x6e: {  	_ =	shalt  }
0x6f: {  	_ =	shalt  }
0x70: {  	_ =	shalt  }
0x71: {  	_ =	shalt  }
0x72: {  	_ =	shalt  }
0x73: {  	_ =	shalt  }
0x74: {  	_ =	shalt  }
0x75: {  	_ =	shalt  }
0x76: {  	_ =	shalt  }
0x77: {  	_ =	shalt  }
0x78: {  	_ =	shalt  }
0x79: {  	_ =	shalt  }
0x7a: {  	_ =	shalt  }
0x7b: {  	_ =	shalt  }
0x7c: {  	_ =	shalt  }
0x7d: {  	_ =	shalt  }
0x7e: {  	_ =	shalt  }
0x7f: {  	_ =	shalt  }
0x80: {  	_ =	shalt  }
0x81: {  	_ =	shalt  }
0x82: {  	_ =	shalt  }
0x83: {  	_ =	shalt  }
0x84: {  	_ =	shalt  }
0x85: {  	_ =	shalt  }
0x86: {  	_ =	shalt  }
0x87: {  	_ =	shalt  }
.Lfunc_end0:
.L_simem_size_0:
called_computation_lowered:
.L_overlay_start_0:
0x88: {  	s2 =	sld [smem:$0x3FD9]  }
0x89: {  	s3 =	sld [smem:$0x3FFE];
	_ =	sdelay $0x1  }
0x8a: {  	s1 =	srdreg.scid  }
0x8b: {  	s0 =	sand.u32 $0x1, s1  }
0x8c: {  	s17 =	sshll.u32 s0, $0xA;
	s2 =	sadd.s32 s3, s2  }
0x8d: {  	s2 =	sadd.s32 s2, s17  }
0x8e: {  	[smem:$0x3FC5] =	sst s2  }
0x8f: {  	_ = 	snop  }
0x90: {  	s2 =	sld [smem:$0x3FC9]  }
0x91: {  	s18 =	sld [smem:$0x3FC8]  }
0x92: {  	s4 =	sld [smem:$0x3FC7];
	(tm) =	ssettm $0x1  }
0x93: {  	s5 =	sld [smem:$0x3FFB];
	_ =	sdelay $0x3  }
0x94: {  	_ =	strace s5  }
0x95: {  	s5 =	sld [smem:$0x3FFC];
	_ =	sdelay $0x3  }
0x96: {  	_ =	strace s5  }
0x97: {  	s5 =	sld [smem:$0x3FFD];
	_ =	sdelay $0x3  }
0x98: {  	_ =	strace s5  }
0x99: {  	_ =	strace $0x8FFFFFFF  }
0x9a: {  	s19 =	sld [smem:$0x3FDB];
	_ =	sdelay $0x1  }
0x9b: {  	s6 =	simm.s32 $_scs_section_size  }
0x9c: {  	s7 =	simm.s32 $_size__tile_overlayer_lowered;
	s8 =	simm.s32 $_tile_overlayer_lowered  }
0x9d: {  	s22 =	simm.s32 $0x1BFF;
	s21 =	sshll.u32 s8, $0x1;
	s5 =	sadd.s32 s6, s19  }
0x9e: {  	s9 =	simm.s32 $0x0;
	s20 =	sshll.u32 s7, $0x1;
	s7 =	sadd.s32 s21, s5  }
0x9f: {  	[timem:s9], [sflag:s22] =	dma.local [hbm:s7], s20  }
0xa0: {  	_ =	swait.ge [sflag:s22], s20  }
0xa1: {  	s6 =	ssub.s32 $0x0, s20;
	[sflag:s22] =	ssyncset.done $0x0  }
0xa2: {  	[sflag:s22] =	ssyncadd.s32 s6;
	_ =	sdelay $0x1  }
0xa3: {  	s23 =	simm.s32 $0x1B8B  }
0xa4: {  	_ =	swait.ge [sflag:s23], $0x1  }
0xa5: {  	[sflag:s23] =	ssyncset.done $0x0  }
0xa6: {  	s25 =	simm.s32 $0x1B8E;
	s24 =	sld [smem:$0x3FFE];
	[sflag:s23] =	ssyncadd.s32 $0xFFFFFFFF  }
0xa7: {  	s26 =	simm.s32 $execute0_lowered;
	[smem:$0x3FD2] =	sst s25  }
0xa8: {  	s7 =	sshll.u32 s26, $0x1;
	_ =	strace $0x80000046;
	[dreg:$0x1] =	wrdreg $0xFFFFFFFF  }
0xa9: {  	s28 =	simm.s32 $_size_execute0_lowered;
	s5 =	sadd.s32 s5, s7;
	[dreg:$0x0] =	wrdreg $0x0  }
0xaa: {  	s7 =	sshll.u32 s28, $0x1;
	[dreg:$0x2] =	wrdreg s5  }
0xab: {  	[dreg:$0x3] =	wrdreg s7  }
0xac: {  	[dreg:$0x4] =	wrdreg $0xC0  }
0xad: {  	_ =	task [dreg:s9], $0x5FFFF  }
0xae: {  	[dreg:$0x1] =	wrdreg $0xFFFFFFFF  }
0xaf: {  	[dreg:$0x0] =	wrdreg $0x60  }
0xb0: {  	[dreg:$0x2] =	wrdreg s2  }
0xb1: {  	[dreg:$0x3] =	wrdreg s18  }
0xb2: {  	[dreg:$0x4] =	wrdreg s4  }
0xb3: {  	[dreg:$0x5] =	wrdreg s24  }
0xb4: {  	[dreg:$0x6] =	wrdreg $0x9  }
0xb5: {  	_ =	task.clear_ibuf [dreg:s9], $0x7FFFF;
	_ =	strace $0x90000046  }
0xb6: {  	s29 =	simm.s32 $0x9;
	_ =	strace $0x80000048  }
0xb7: {  	_ =	swait.ge [sflag:s29], $0x1  }
0xb8: {  	[sflag:s29] =	ssyncadd.s32 $0xFFFFFFFF  }
0xb9: {  	_ =	strace $0x90000048  }
0xba: {  	_ =	sfence  }
0xbb: {  	s30 =	sld [smem:$0x0];
	_ =	sdelay $0x2  }
0xbc: {  	s31 =	sshll.u32 s1, $0xD;
	s1 =	sshrl.u32 s1, $0x2  }
0xbd: {  	s3 =	sand.u32 $0x4000, s31;
	s1 =	sadd.s32 s1, s30  }
0xbe: {  	s0 =	sor.u32 s3, s0;
	s1 =	sshll.u32 s1, $0x11  }
0xbf: {  	s0 =	sor.u32 s1, s0  }
0xc0: {  	s0 =	sadd.s32 $0x8F2B, s0  }
0xc1: {  	[sflag:s0] =	ssyncadd.remote.s32 $0x1  }
0xc2: {  	_ =	sfence.sel $0xFFFF  }
0xc3: {  	[dreg:$0x0] =	wrdreg $0xFFFFFFFF;
	(pc) =	sbr.abs _section_cstart, $3  }
0xc4: {  	[dreg:$0x1] =	wrdreg $0xFFFFFFFF  }
0xc5: {  	_ =	task.clear_ibuf [dreg:s9], $0x2FFFF;
	_ =	strace $0x9FFFFFFF  }
0xc6: {  	(tm) =	ssettm $0x7FFFFFFF  }
0xc7: {  	_ =	shalt  }
tec
execute0_lowered:
.L_overlay_start_1:
0x0: {  	(tag) =	ssettag $0x1  }
0x1: {  	s5 =	rddreg [dreg:$0x0]  }
0x2: {  	s4 =	rddreg [dreg:$0x1]  }
0x3: {  	s1 =	rddreg [dreg:$0x2]  }
0x4: {  	s9 =	rddreg [dreg:$0x3]  }
0x5: {  	s0 =	rddreg [dreg:$0x4]  }
0x6: {  	s3 =	simm.s32 $0x0;
	s6 =	srdreg.scid;
	s2 =	stileid.u32  }
0x7: {  	s13 =	simm.s32 $0x200;
	s14 =	simm.s32 $0x4200;
	s15 =	simm.s32 $0x1  }
0x8: {  	s16 =	simm.s32 $0x100;
	s17 =	simm.s32 $0x180;
	s18 =	simm.s32 $0x8200  }
0x9: {  	s19 =	simm.s32 $0x0;
	s6 =	sand.u32 $0x1, s6;
	s7 =	sshll.u32 s2, $0x1  }
0xa: {  	[smem:$0x7FF] =	sst s3;
	s8 =	ssub.s32 $0x2, s6;
	s10 =	sor.u32 s6, s7  }
0xb: {  	_ =	strace $0x80000047;
	s31 =	sshrl.u32 s8, $0x1;
	s7 =	sshll.u32 s10, $0x6  }
0xc: {  	s11 =	sshll.u32 s10, $0xD;
	s10 =	sshll.u32 s10, $0x4;
	s12 =	ssub.s32 s8, s31  }
0xd: {  	s4 =	sadd.s32 s4, s7;
	s5 =	sadd.s32 s5, s11;
	s9 =	sadd.s32 s9, s10  }
0xe: {  	s11 =	simm.s32 $0x2;
	s6 =	sadd.s32 $0x800, s5;
	s7 =	sadd.s32 $0x1000, s5  }
0xf: {  	s8 =	sadd.s32 $0x1800, s5;
	s10 =	smax.u32 s12, $0x1;
	s12 =	simm.s32 $0x80  }
.LBB2_1:
0x10: {  	[tilespmem:s3], [sflag:$0x2] =	stream.linear.gather [hbm4b:s4+s3], $0x200, $0x38;
	[tilespmem:$0x8280] =	vst v63  }
0x11: {  	_ =	swait.ge [sflag:s11], $0x200  }
0x12: {  	[sflag:s11] =	ssyncset.done $0x0  }
0x13: {  	[sflag:s11] =	ssyncadd.s32 $0xFFFFFE00  }
0x14: {  	[tilespmem:s13], [sflag:$0x1] =	stream.indirect.gather [hbm4b:s1+s12], $0x80, s3, s12, $0xb8;
	[tilespmem:$0x8280] =	vst v63  }
0x15: {  	_ = 	snop  }
0x16: {  	[tilespmem:s14], [sflag:$0x2] =	stream.linear.gather [hbm4b:s5+s3], $0x4000, $0x38;
	[tilespmem:$0x8280] =	vst v63  }
0x17: {  	_ =	swait.ge [sflag:s11], $0x4000  }
0x18: {  	[sflag:s11] =	ssyncset.done $0x0  }
0x19: {  	[sflag:s11] =	ssyncadd.s32 $0xFFFFC000  }
0x1a: {  	_ =	swait.ge [sflag:s15], $0x4000  }
0x1b: {  	[sflag:s15] =	ssyncset.done $0x0  }
0x1c: {  	s21 =	simm.s32 $0x0;
	[sflag:s15] =	ssyncadd.s32 $0xFFFFC000  }
0x1d: {  	v0 =	vld [tilespmem:s21+$0x4200]  }
0x1e: {  	v1 =	vld [tilespmem:s21+$0x200]  }
0x1f: {  	v2 =	vld [tilespmem:s21+$0x4210]  }
0x20: {  	v3 =	vld [tilespmem:s21+$0x210]  }
0x21: {  	v4 =	vld [tilespmem:s21+$0x4220]  }
0x22: {  	v5 =	vld [tilespmem:s21+$0x220]  }
0x23: {  	v6 =	vld [tilespmem:s21+$0x230];
	v0 =	vsub.f32 v0, v1  }
0x24: {  	v1 =	vld [tilespmem:s21+$0x4230]  }
0x25: {  	v7 =	vld [tilespmem:s21+$0x4240];
	v2 =	vsub.f32 v2, v3;
	v0 =	vmul.f32 v0, v0  }
0x26: {  	v8 =	vld [tilespmem:s21+$0x240];
	v3 =	vimm.f32 $0.0e+00  }
0x27: {  	v9 =	vld [tilespmem:s21+$0x4250];
	v2 =	vmul.f32 v2, v2;
	v0 =	vadd.f32 v0, v3;
	v3 =	vsub.f32 v4, v5  }
0x28: {  	v10 =	vld [tilespmem:s21+$0x250]  }
0x29: {  	v1 =	vsub.f32 v1, v6;
	v2 =	vadd.f32 v2, v0;
	v4 =	vmul.f32 v3, v3;
	v0 =	vld [tilespmem:s21+$0x4260]  }
0x2a: {  	v3 =	vld [tilespmem:s21+$0x260]  }
0x2b: {  	v7 =	vsub.f32 v7, v8;
	v6 =	vmul.f32 v1, v1;
	v1 =	vld [tilespmem:s21+$0x4270];
	v5 =	vadd.f32 v4, v2  }
0x2c: {  	s20 =	simm.s32 $0x80;
	v4 =	vld [tilespmem:s21+$0x270]  }
0x2d: {  	v2 =	vld [tilespmem:s20+$0x4200];
	s21 =	simm.s32 $0x400;
	v5 =	vadd.f32 v6, v5;
	v6 =	vmul.f32 v7, v7;
	v7 =	vsub.f32 v9, v10  }
.LBB2_2:
0x2e: {  	p0 =	sne.s32 s21, $0xFE00;
	v8 =	vld [tilespmem:s20+$0x200]  }
0x2f: {  	v9 =	vld [tilespmem:s20+$0x4210];
	v5 =	vadd.f32 v6, v5;
	v6 =	vmul.f32 v7, v7;
	v0 =	vsub.f32 v0, v3  }
0x30: {  	v3 =	vld [tilespmem:s20+$0x210]  }
0x31: {  	v7 =	vld [tilespmem:s20+$0x4220];
	v5 =	vadd.f32 v6, v5;
	v0 =	vmul.f32 v0, v0;
	v1 =	vsub.f32 v1, v4  }
0x32: {  	v4 =	vld [tilespmem:s20+$0x220]  }
0x33: {  	v2 =	vsub.f32 v2, v8;
	v6 =	vld [tilespmem:s20+$0x4230];
	v0 =	vadd.f32 v0, v5;
	v1 =	vmul.f32 v1, v1  }
0x34: {  	v5 =	vld [tilespmem:s20+$0x230]  }
0x35: {  	v2 =	vmul.f32 v2, v2;
	v3 =	vsub.f32 v9, v3;
	v8 =	vld [tilespmem:s20+$0x4240];
	v0 =	vadd.f32 v1, v0  }
0x36: {  	v1 =	vld [tilespmem:s20+$0x240]  }
0x37: {  	v0 =	vadd.f32 v2, v0;
	v2 =	vmul.f32 v3, v3;
	v3 =	vsub.f32 v7, v4;
	v7 =	vld [tilespmem:s20+$0x4250]  }
0x38: {  	v9 =	vld [tilespmem:s20+$0x250]  }
.Ltmp0:
0x39: {  	v2 =	vadd.f32 v2, v0;
	v4 =	vmul.f32 v3, v3;
	v5 =	vsub.f32 v6, v5;
	v0 =	vld [tilespmem:s20+$0x4260];
	(pc) =	sbr.rel @p0 .LBB2_2-.Ltmp0, $4  }
0x3a: {  	v3 =	vld [tilespmem:s20+$0x260]  }
0x3b: {  	v6 =	vadd.f32 v4, v2;
	v5 =	vmul.f32 v5, v5;
	v8 =	vsub.f32 v8, v1;
	v1 =	vld [tilespmem:s20+$0x4270]  }
0x3c: {  	v4 =	vld [tilespmem:s20+$0x270];
	s20 =	sshra.s32 s21, $0x2  }
0x3d: {  	s21 =	sadd.s32 $0x200, s21;
	v2 =	vld [tilespmem:s20+$0x4200];
	v5 =	vadd.f32 v5, v6;
	v6 =	vmul.f32 v8, v8;
	v7 =	vsub.f32 v7, v9  }
0x3e: {  	v8 =	vld [tilespmem:s20+$0x200]  }
0x3f: {  	v9 =	vld [tilespmem:s20+$0x4210]  }
0x40: {  	v10 =	vld [tilespmem:s20+$0x210]  }
0x41: {  	v11 =	vld [tilespmem:s20+$0x4220]  }
0x42: {  	v12 =	vld [tilespmem:s20+$0x220]  }
0x43: {  	v13 =	vld [tilespmem:s20+$0x4230]  }
0x44: {  	v14 =	vld [tilespmem:s20+$0x230]  }
0x45: {  	v15 =	vld [tilespmem:s20+$0x4240]  }
0x46: {  	v16 =	vld [tilespmem:s20+$0x240]  }
0x47: {  	v17 =	vld [tilespmem:s20+$0x4250];
	v5 =	vadd.f32 v6, v5;
	v6 =	vmul.f32 v7, v7;
	v0 =	vsub.f32 v0, v3  }
0x48: {  	v3 =	vld [tilespmem:s20+$0x250]  }
0x49: {  	v7 =	vld [tilespmem:s20+$0x4260];
	v5 =	vadd.f32 v6, v5;
	v0 =	vmul.f32 v0, v0;
	v1 =	vsub.f32 v1, v4  }
0x4a: {  	v4 =	vld [tilespmem:s20+$0x260]  }
0x4b: {  	v6 =	vld [tilespmem:s20+$0x4270];
	v2 =	vsub.f32 v2, v8;
	v0 =	vadd.f32 v0, v5;
	v1 =	vmul.f32 v1, v1  }
0x4c: {  	v5 =	vld [tilespmem:s20+$0x270];
	[tilespmem:s13], [sflag:$0x1] =	stream.indirect.gather [hbm4b:s1+s12], $0x80, s12, s12, $0xb8  }
0x4d: {  	s31 =	simm.s32 $0x0;
	v8 =	vsub.f32 v9, v10;
	v0 =	vadd.f32 v1, v0;
	v1 =	vmul.f32 v2, v2  }
0x4e: {  	[tilespmem:s14], [sflag:$0x2] =	stream.linear.gather [hbm4b:s6+s31], $0x4000, $0x38;
	[tilespmem:$0x8280] =	vst v63  }
0x4f: {  	v2 =	vmul.f32 v8, v8;
	_ =	swait.ge [sflag:s11], $0x4000;
	v0 =	vadd.f32 v1, v0;
	v1 =	vsub.f32 v11, v12  }
0x50: {  	[sflag:s11] =	ssyncset.done $0x0  }
0x51: {  	[sflag:s11] =	ssyncadd.s32 $0xFFFFC000;
	v0 =	vadd.f32 v2, v0;
	v2 =	vsub.f32 v13, v14;
	v1 =	vmul.f32 v1, v1  }
0x52: {  	_ =	swait.ge [sflag:s15], $0x4000  }
0x53: {  	[sflag:s15] =	ssyncset.done $0x0;
	v0 =	vadd.f32 v1, v0;
	v1 =	vmul.f32 v2, v2;
	v2 =	vsub.f32 v15, v16  }
0x54: {  	s21 =	simm.s32 $0x0;
	[sflag:s15] =	ssyncadd.s32 $0xFFFFC000  }
0x55: {  	v8 =	vld [tilespmem:s21+$0x200];
	v0 =	vadd.f32 v1, v0;
	v1 =	vmul.f32 v2, v2;
	v2 =	vsub.f32 v17, v3  }
0x56: {  	v3 =	vld [tilespmem:s21+$0x4200]  }
0x57: {  	v0 =	vadd.f32 v1, v0;
	v1 =	vmul.f32 v2, v2;
	v2 =	vsub.f32 v7, v4;
	v4 =	vld [tilespmem:s21+$0x4210]  }
0x58: {  	v7 =	vld [tilespmem:s21+$0x210]  }
0x59: {  	v0 =	vadd.f32 v1, v0;
	v1 =	vmul.f32 v2, v2;
	v2 =	vsub.f32 v6, v5;
	v5 =	vld [tilespmem:s21+$0x4220]  }
0x5a: {  	v6 =	vld [tilespmem:s21+$0x220]  }
0x5b: {  	v0 =	vadd.f32 v1, v0;
	v1 =	vmul.f32 v2, v2;
	v2 =	vsub.f32 v3, v8;
	v3 =	vld [tilespmem:s21+$0x4230]  }
0x5c: {  	v8 =	vld [tilespmem:s21+$0x230]  }
0x5d: {  	v0 =	vadd.f32 v1, v0;
	v1 =	vmul.f32 v2, v2;
	v2 =	vsub.f32 v4, v7;
	v4 =	vld [tilespmem:s21+$0x4240]  }
0x5e: {  	v7 =	vld [tilespmem:s21+$0x240]  }
0x5f: {  	v62 =	vld [tilespmem:s21+$0x4250];
	v0 =	vadd.f32 v1, v0;
	v1 =	vmul.f32 v2, v2;
	v2 =	vsub.f32 v5, v6  }
0x60: {  	v63 =	vld [tilespmem:s21+$0x250]  }
0x61: {  	v5 =	vsub.f32 v3, v8;
	v3 =	vld [tilespmem:s21+$0x260];
	v1 =	vadd.f32 v1, v0;
	v2 =	vmul.f32 v2, v2  }
0x62: {  	v0 =	vld [tilespmem:s21+$0x4260]  }
0x63: {  	v5 =	vmul.f32 v5, v5;
	v7 =	vsub.f32 v4, v7;
	v4 =	vld [tilespmem:s21+$0x270];
	v6 =	vadd.f32 v2, v1  }
0x64: {  	s20 =	simm.s32 $0x80;
	v1 =	vld [tilespmem:s21+$0x4270]  }
0x65: {  	v2 =	vld [tilespmem:s20+$0x4200];
	s21 =	simm.s32 $0x400;
	v5 =	vadd.f32 v5, v6;
	v6 =	vmul.f32 v7, v7;
	v7 =	vsub.f32 v62, v63  }
.LBB2_4:
0x66: {  	p0 =	sne.s32 s21, $0xFE00;
	v8 =	vld [tilespmem:s20+$0x200]  }
0x67: {  	v9 =	vld [tilespmem:s20+$0x4210];
	v5 =	vadd.f32 v6, v5;
	v6 =	vmul.f32 v7, v7;
	v0 =	vsub.f32 v0, v3  }
0x68: {  	v3 =	vld [tilespmem:s20+$0x210]  }
0x69: {  	v7 =	vld [tilespmem:s20+$0x4220];
	v5 =	vadd.f32 v6, v5;
	v0 =	vmul.f32 v0, v0;
	v1 =	vsub.f32 v1, v4  }
0x6a: {  	v4 =	vld [tilespmem:s20+$0x220]  }
0x6b: {  	v2 =	vsub.f32 v2, v8;
	v6 =	vld [tilespmem:s20+$0x4230];
	v0 =	vadd.f32 v0, v5;
	v1 =	vmul.f32 v1, v1  }
0x6c: {  	v5 =	vld [tilespmem:s20+$0x230]  }
0x6d: {  	v2 =	vmul.f32 v2, v2;
	v3 =	vsub.f32 v9, v3;
	v8 =	vld [tilespmem:s20+$0x4240];
	v0 =	vadd.f32 v1, v0  }
0x6e: {  	v1 =	vld [tilespmem:s20+$0x240]  }
0x6f: {  	v0 =	vadd.f32 v2, v0;
	v2 =	vmul.f32 v3, v3;
	v3 =	vsub.f32 v7, v4;
	v7 =	vld [tilespmem:s20+$0x4250]  }
0x70: {  	v9 =	vld [tilespmem:s20+$0x250]  }
.Ltmp1:
0x71: {  	v2 =	vadd.f32 v2, v0;
	v4 =	vmul.f32 v3, v3;
	v5 =	vsub.f32 v6, v5;
	v0 =	vld [tilespmem:s20+$0x4260];
	(pc) =	sbr.rel @p0 .LBB2_4-.Ltmp1, $4  }
0x72: {  	v3 =	vld [tilespmem:s20+$0x260]  }
0x73: {  	v6 =	vadd.f32 v4, v2;
	v5 =	vmul.f32 v5, v5;
	v8 =	vsub.f32 v8, v1;
	v1 =	vld [tilespmem:s20+$0x4270]  }
0x74: {  	v4 =	vld [tilespmem:s20+$0x270];
	s20 =	sshra.s32 s21, $0x2  }
0x75: {  	s21 =	sadd.s32 $0x200, s21;
	v2 =	vld [tilespmem:s20+$0x4200];
	v5 =	vadd.f32 v5, v6;
	v6 =	vmul.f32 v8, v8;
	v7 =	vsub.f32 v7, v9  }
0x76: {  	v8 =	vld [tilespmem:s20+$0x200]  }
0x77: {  	v9 =	vld [tilespmem:s20+$0x4210]  }
0x78: {  	v10 =	vld [tilespmem:s20+$0x210]  }
0x79: {  	v11 =	vld [tilespmem:s20+$0x4220]  }
0x7a: {  	v12 =	vld [tilespmem:s20+$0x220]  }
0x7b: {  	v13 =	vld [tilespmem:s20+$0x4230]  }
0x7c: {  	v14 =	vld [tilespmem:s20+$0x230]  }
0x7d: {  	v15 =	vld [tilespmem:s20+$0x4240]  }
0x7e: {  	v16 =	vld [tilespmem:s20+$0x240]  }
0x7f: {  	v17 =	vld [tilespmem:s20+$0x4250];
	v5 =	vadd.f32 v6, v5;
	v6 =	vmul.f32 v7, v7;
	v0 =	vsub.f32 v0, v3  }
0x80: {  	v3 =	vld [tilespmem:s20+$0x250]  }
0x81: {  	v7 =	vld [tilespmem:s20+$0x4260];
	v5 =	vadd.f32 v6, v5;
	v0 =	vmul.f32 v0, v0;
	v1 =	vsub.f32 v1, v4  }
0x82: {  	v4 =	vld [tilespmem:s20+$0x260]  }
0x83: {  	v6 =	vld [tilespmem:s20+$0x4270];
	v2 =	vsub.f32 v2, v8;
	v0 =	vadd.f32 v0, v5;
	v1 =	vmul.f32 v1, v1  }
0x84: {  	v5 =	vld [tilespmem:s20+$0x270];
	[tilespmem:s13], [sflag:$0x1] =	stream.indirect.gather [hbm4b:s1+s12], $0x80, s16, s12, $0xb8  }
0x85: {  	s31 =	simm.s32 $0x0;
	v8 =	vsub.f32 v9, v10;
	v0 =	vadd.f32 v1, v0;
	v1 =	vmul.f32 v2, v2  }
0x86: {  	[tilespmem:s14], [sflag:$0x2] =	stream.linear.gather [hbm4b:s7+s31], $0x4000, $0x38;
	[tilespmem:$0x8280] =	vst v63  }
0x87: {  	v2 =	vmul.f32 v8, v8;
	_ =	swait.ge [sflag:s11], $0x4000;
	v0 =	vadd.f32 v1, v0;
	v1 =	vsub.f32 v11, v12  }
0x88: {  	[sflag:s11] =	ssyncset.done $0x0  }
0x89: {  	[sflag:s11] =	ssyncadd.s32 $0xFFFFC000;
	v0 =	vadd.f32 v2, v0;
	v2 =	vsub.f32 v13, v14;
	v1 =	vmul.f32 v1, v1  }
0x8a: {  	_ =	swait.ge [sflag:s15], $0x4000  }
0x8b: {  	[sflag:s15] =	ssyncset.done $0x0;
	v0 =	vadd.f32 v1, v0;
	v1 =	vmul.f32 v2, v2;
	v2 =	vsub.f32 v15, v16  }
0x8c: {  	s21 =	simm.s32 $0x0;
	[sflag:s15] =	ssyncadd.s32 $0xFFFFC000  }
0x8d: {  	v8 =	vld [tilespmem:s21+$0x200];
	v0 =	vadd.f32 v1, v0;
	v1 =	vmul.f32 v2, v2;
	v2 =	vsub.f32 v17, v3  }
0x8e: {  	v3 =	vld [tilespmem:s21+$0x4200]  }
0x8f: {  	v0 =	vadd.f32 v1, v0;
	v1 =	vmul.f32 v2, v2;
	v2 =	vsub.f32 v7, v4;
	v4 =	vld [tilespmem:s21+$0x4210]  }
0x90: {  	v7 =	vld [tilespmem:s21+$0x210]  }
0x91: {  	v0 =	vadd.f32 v1, v0;
	v1 =	vmul.f32 v2, v2;
	v2 =	vsub.f32 v6, v5;
	v5 =	vld [tilespmem:s21+$0x4220]  }
0x92: {  	v6 =	vld [tilespmem:s21+$0x220]  }
0x93: {  	v0 =	vadd.f32 v1, v0;
	v1 =	vmul.f32 v2, v2;
	v2 =	vsub.f32 v3, v8;
	v3 =	vld [tilespmem:s21+$0x4230]  }
0x94: {  	v8 =	vld [tilespmem:s21+$0x230]  }
0x95: {  	v0 =	vadd.f32 v1, v0;
	v1 =	vmul.f32 v2, v2;
	v2 =	vsub.f32 v4, v7;
	v4 =	vld [tilespmem:s21+$0x4240]  }
0x96: {  	v7 =	vld [tilespmem:s21+$0x240]  }
0x97: {  	v62 =	vld [tilespmem:s21+$0x4250];
	v0 =	vadd.f32 v1, v0;
	v1 =	vmul.f32 v2, v2;
	v2 =	vsub.f32 v5, v6  }
0x98: {  	v63 =	vld [tilespmem:s21+$0x250]  }
0x99: {  	v5 =	vsub.f32 v3, v8;
	v3 =	vld [tilespmem:s21+$0x260];
	v1 =	vadd.f32 v1, v0;
	v2 =	vmul.f32 v2, v2  }
0x9a: {  	v0 =	vld [tilespmem:s21+$0x4260]  }
0x9b: {  	v5 =	vmul.f32 v5, v5;
	v7 =	vsub.f32 v4, v7;
	v4 =	vld [tilespmem:s21+$0x270];
	v6 =	vadd.f32 v2, v1  }
0x9c: {  	s20 =	simm.s32 $0x80;
	v1 =	vld [tilespmem:s21+$0x4270]  }
0x9d: {  	v2 =	vld [tilespmem:s20+$0x4200];
	s21 =	simm.s32 $0x400;
	v5 =	vadd.f32 v5, v6;
	v6 =	vmul.f32 v7, v7;
	v7 =	vsub.f32 v62, v63  }
.LBB2_6:
0x9e: {  	p0 =	sne.s32 s21, $0xFE00;
	v8 =	vld [tilespmem:s20+$0x200]  }
0x9f: {  	v9 =	vld [tilespmem:s20+$0x4210];
	v5 =	vadd.f32 v6, v5;
	v6 =	vmul.f32 v7, v7;
	v0 =	vsub.f32 v0, v3  }
0xa0: {  	v3 =	vld [tilespmem:s20+$0x210]  }
0xa1: {  	v7 =	vld [tilespmem:s20+$0x4220];
	v5 =	vadd.f32 v6, v5;
	v0 =	vmul.f32 v0, v0;
	v1 =	vsub.f32 v1, v4  }
0xa2: {  	v4 =	vld [tilespmem:s20+$0x220]  }
0xa3: {  	v2 =	vsub.f32 v2, v8;
	v6 =	vld [tilespmem:s20+$0x4230];
	v0 =	vadd.f32 v0, v5;
	v1 =	vmul.f32 v1, v1  }
0xa4: {  	v5 =	vld [tilespmem:s20+$0x230]  }
0xa5: {  	v2 =	vmul.f32 v2, v2;
	v3 =	vsub.f32 v9, v3;
	v8 =	vld [tilespmem:s20+$0x4240];
	v0 =	vadd.f32 v1, v0  }
0xa6: {  	v1 =	vld [tilespmem:s20+$0x240]  }
0xa7: {  	v0 =	vadd.f32 v2, v0;
	v2 =	vmul.f32 v3, v3;
	v3 =	vsub.f32 v7, v4;
	v7 =	vld [tilespmem:s20+$0x4250]  }
0xa8: {  	v9 =	vld [tilespmem:s20+$0x250]  }
.Ltmp2:
0xa9: {  	v2 =	vadd.f32 v2, v0;
	v4 =	vmul.f32 v3, v3;
	v5 =	vsub.f32 v6, v5;
	v0 =	vld [tilespmem:s20+$0x4260];
	(pc) =	sbr.rel @p0 .LBB2_6-.Ltmp2, $4  }
0xaa: {  	v3 =	vld [tilespmem:s20+$0x260]  }
0xab: {  	v6 =	vadd.f32 v4, v2;
	v5 =	vmul.f32 v5, v5;
	v8 =	vsub.f32 v8, v1;
	v1 =	vld [tilespmem:s20+$0x4270]  }
0xac: {  	v4 =	vld [tilespmem:s20+$0x270];
	s20 =	sshra.s32 s21, $0x2  }
0xad: {  	s21 =	sadd.s32 $0x200, s21;
	v2 =	vld [tilespmem:s20+$0x4200];
	v5 =	vadd.f32 v5, v6;
	v6 =	vmul.f32 v8, v8;
	v7 =	vsub.f32 v7, v9  }
0xae: {  	v8 =	vld [tilespmem:s20+$0x200]  }
0xaf: {  	v9 =	vld [tilespmem:s20+$0x4210]  }
0xb0: {  	v10 =	vld [tilespmem:s20+$0x210]  }
0xb1: {  	v11 =	vld [tilespmem:s20+$0x4220]  }
0xb2: {  	v12 =	vld [tilespmem:s20+$0x220]  }
0xb3: {  	v13 =	vld [tilespmem:s20+$0x4230]  }
0xb4: {  	v14 =	vld [tilespmem:s20+$0x230]  }
0xb5: {  	v15 =	vld [tilespmem:s20+$0x4240]  }
0xb6: {  	v16 =	vld [tilespmem:s20+$0x240]  }
0xb7: {  	v17 =	vld [tilespmem:s20+$0x4250];
	v5 =	vadd.f32 v6, v5;
	v6 =	vmul.f32 v7, v7;
	v0 =	vsub.f32 v0, v3  }
0xb8: {  	v3 =	vld [tilespmem:s20+$0x250]  }
0xb9: {  	v7 =	vld [tilespmem:s20+$0x4260];
	v5 =	vadd.f32 v6, v5;
	v0 =	vmul.f32 v0, v0;
	v1 =	vsub.f32 v1, v4  }
0xba: {  	v4 =	vld [tilespmem:s20+$0x260]  }
0xbb: {  	v6 =	vld [tilespmem:s20+$0x4270];
	v2 =	vsub.f32 v2, v8;
	v0 =	vadd.f32 v0, v5;
	v1 =	vmul.f32 v1, v1  }
0xbc: {  	v5 =	vld [tilespmem:s20+$0x270];
	[tilespmem:s13], [sflag:$0x1] =	stream.indirect.gather [hbm4b:s1+s12], $0x80, s17, s12, $0xb8  }
0xbd: {  	s31 =	simm.s32 $0x0;
	v8 =	vsub.f32 v9, v10;
	v0 =	vadd.f32 v1, v0;
	v1 =	vmul.f32 v2, v2  }
0xbe: {  	[tilespmem:s14], [sflag:$0x2] =	stream.linear.gather [hbm4b:s8+s31], $0x4000, $0x38;
	[tilespmem:$0x8280] =	vst v63  }
0xbf: {  	v2 =	vmul.f32 v8, v8;
	_ =	swait.ge [sflag:s11], $0x4000;
	v0 =	vadd.f32 v1, v0;
	v1 =	vsub.f32 v11, v12  }
0xc0: {  	[sflag:s11] =	ssyncset.done $0x0  }
0xc1: {  	[sflag:s11] =	ssyncadd.s32 $0xFFFFC000;
	v0 =	vadd.f32 v2, v0;
	v2 =	vsub.f32 v13, v14;
	v1 =	vmul.f32 v1, v1  }
0xc2: {  	_ =	swait.ge [sflag:s15], $0x4000  }
0xc3: {  	[sflag:s15] =	ssyncset.done $0x0;
	v0 =	vadd.f32 v1, v0;
	v1 =	vmul.f32 v2, v2;
	v2 =	vsub.f32 v15, v16  }
0xc4: {  	s21 =	simm.s32 $0x0;
	[sflag:s15] =	ssyncadd.s32 $0xFFFFC000  }
0xc5: {  	v8 =	vld [tilespmem:s21+$0x200];
	v0 =	vadd.f32 v1, v0;
	v1 =	vmul.f32 v2, v2;
	v2 =	vsub.f32 v17, v3  }
0xc6: {  	v3 =	vld [tilespmem:s21+$0x4200]  }
0xc7: {  	v0 =	vadd.f32 v1, v0;
	v1 =	vmul.f32 v2, v2;
	v2 =	vsub.f32 v7, v4;
	v4 =	vld [tilespmem:s21+$0x4210]  }
0xc8: {  	v7 =	vld [tilespmem:s21+$0x210]  }
0xc9: {  	v0 =	vadd.f32 v1, v0;
	v1 =	vmul.f32 v2, v2;
	v2 =	vsub.f32 v6, v5;
	v5 =	vld [tilespmem:s21+$0x4220]  }
0xca: {  	v6 =	vld [tilespmem:s21+$0x220]  }
0xcb: {  	v0 =	vadd.f32 v1, v0;
	v1 =	vmul.f32 v2, v2;
	v2 =	vsub.f32 v3, v8;
	v3 =	vld [tilespmem:s21+$0x4230]  }
0xcc: {  	v8 =	vld [tilespmem:s21+$0x230]  }
0xcd: {  	v0 =	vadd.f32 v1, v0;
	v1 =	vmul.f32 v2, v2;
	v2 =	vsub.f32 v4, v7;
	v4 =	vld [tilespmem:s21+$0x4240]  }
0xce: {  	v7 =	vld [tilespmem:s21+$0x240]  }
0xcf: {  	v62 =	vld [tilespmem:s21+$0x4250];
	v0 =	vadd.f32 v1, v0;
	v1 =	vmul.f32 v2, v2;
	v2 =	vsub.f32 v5, v6  }
0xd0: {  	v63 =	vld [tilespmem:s21+$0x250]  }
0xd1: {  	v5 =	vsub.f32 v3, v8;
	v3 =	vld [tilespmem:s21+$0x260];
	v1 =	vadd.f32 v1, v0;
	v2 =	vmul.f32 v2, v2  }
0xd2: {  	v0 =	vld [tilespmem:s21+$0x4260]  }
0xd3: {  	v5 =	vmul.f32 v5, v5;
	v7 =	vsub.f32 v4, v7;
	v4 =	vld [tilespmem:s21+$0x270];
	v6 =	vadd.f32 v2, v1  }
0xd4: {  	s20 =	simm.s32 $0x80;
	v1 =	vld [tilespmem:s21+$0x4270]  }
0xd5: {  	v2 =	vld [tilespmem:s20+$0x4200];
	s21 =	simm.s32 $0x400;
	v5 =	vadd.f32 v5, v6;
	v6 =	vmul.f32 v7, v7;
	v7 =	vsub.f32 v62, v63  }
.LBB2_8:
0xd6: {  	p0 =	sne.s32 s21, $0xFE00;
	v8 =	vld [tilespmem:s20+$0x200]  }
0xd7: {  	v9 =	vld [tilespmem:s20+$0x4210];
	v5 =	vadd.f32 v6, v5;
	v6 =	vmul.f32 v7, v7;
	v0 =	vsub.f32 v0, v3  }
0xd8: {  	v3 =	vld [tilespmem:s20+$0x210]  }
0xd9: {  	v7 =	vld [tilespmem:s20+$0x4220];
	v5 =	vadd.f32 v6, v5;
	v0 =	vmul.f32 v0, v0;
	v1 =	vsub.f32 v1, v4  }
0xda: {  	v4 =	vld [tilespmem:s20+$0x220]  }
0xdb: {  	v2 =	vsub.f32 v2, v8;
	v6 =	vld [tilespmem:s20+$0x4230];
	v0 =	vadd.f32 v0, v5;
	v1 =	vmul.f32 v1, v1  }
0xdc: {  	v5 =	vld [tilespmem:s20+$0x230]  }
0xdd: {  	v2 =	vmul.f32 v2, v2;
	v3 =	vsub.f32 v9, v3;
	v8 =	vld [tilespmem:s20+$0x4240];
	v0 =	vadd.f32 v1, v0  }
0xde: {  	v1 =	vld [tilespmem:s20+$0x240]  }
0xdf: {  	v0 =	vadd.f32 v2, v0;
	v2 =	vmul.f32 v3, v3;
	v3 =	vsub.f32 v7, v4;
	v7 =	vld [tilespmem:s20+$0x4250]  }
0xe0: {  	v9 =	vld [tilespmem:s20+$0x250]  }
.Ltmp3:
0xe1: {  	v2 =	vadd.f32 v2, v0;
	v4 =	vmul.f32 v3, v3;
	v5 =	vsub.f32 v6, v5;
	v0 =	vld [tilespmem:s20+$0x4260];
	(pc) =	sbr.rel @p0 .LBB2_8-.Ltmp3, $4  }
0xe2: {  	v3 =	vld [tilespmem:s20+$0x260]  }
0xe3: {  	v6 =	vadd.f32 v4, v2;
	v5 =	vmul.f32 v5, v5;
	v8 =	vsub.f32 v8, v1;
	v1 =	vld [tilespmem:s20+$0x4270]  }
0xe4: {  	v4 =	vld [tilespmem:s20+$0x270];
	s20 =	sshra.s32 s21, $0x2  }
0xe5: {  	s21 =	sadd.s32 $0x200, s21;
	v2 =	vld [tilespmem:s20+$0x4200];
	v5 =	vadd.f32 v5, v6;
	v6 =	vmul.f32 v8, v8;
	v7 =	vsub.f32 v7, v9  }
0xe6: {  	v8 =	vld [tilespmem:s20+$0x200]  }
0xe7: {  	v9 =	vld [tilespmem:s20+$0x4210];
	v5 =	vadd.f32 v6, v5;
	v39 =	vmul.f32 v7, v7;
	v0 =	vsub.f32 v0, v3  }
0xe8: {  	v40 =	vld [tilespmem:s20+$0x210]  }
0xe9: {  	v41 =	vld [tilespmem:s20+$0x4220];
	v5 =	vadd.f32 v39, v5;
	v0 =	vmul.f32 v0, v0;
	v1 =	vsub.f32 v1, v4  }
0xea: {  	v42 =	vld [tilespmem:s20+$0x220]  }
0xeb: {  	v43 =	vld [tilespmem:s20+$0x4230];
	v2 =	vsub.f32 v2, v8;
	v0 =	vadd.f32 v0, v5;
	v1 =	vmul.f32 v1, v1  }
0xec: {  	v44 =	vld [tilespmem:s20+$0x230]  }
0xed: {  	v45 =	vld [tilespmem:s20+$0x4240];
	v3 =	vsub.f32 v9, v40;
	v2 =	vmul.f32 v2, v2;
	v0 =	vadd.f32 v1, v0  }
0xee: {  	v46 =	vld [tilespmem:s20+$0x240]  }
0xef: {  	v49 =	vld [tilespmem:s20+$0x4250];
	v48 =	vsub.f32 v41, v42;
	v47 =	vmul.f32 v3, v3;
	v0 =	vadd.f32 v2, v0  }
0xf0: {  	v50 =	vld [tilespmem:s20+$0x250]  }
0xf1: {  	v53 =	vld [tilespmem:s20+$0x4260];
	v52 =	vsub.f32 v43, v44;
	v51 =	vmul.f32 v48, v48;
	v0 =	vadd.f32 v47, v0  }
0xf2: {  	v54 =	vld [tilespmem:s20+$0x260]  }
0xf3: {  	v56 =	vld [tilespmem:s20+$0x4270];
	v55 =	vmul.f32 v52, v52;
	v1 =	vsub.f32 v45, v46;
	v0 =	vadd.f32 v51, v0  }
0xf4: {  	v57 =	vld [tilespmem:s20+$0x270]  }
0xf5: {  	v58 =	vsub.f32 v49, v50;
	v1 =	vmul.f32 v1, v1;
	v0 =	vadd.f32 v55, v0;
	_ =	sdelay $0x1  }
0xf6: {  	v60 =	vsub.f32 v53, v54;
	v59 =	vmul.f32 v58, v58;
	v0 =	vadd.f32 v1, v0;
	_ =	sdelay $0x1  }
0xf7: {  	v62 =	vsub.f32 v56, v57;
	v61 =	vmul.f32 v60, v60;
	v0 =	vadd.f32 v59, v0;
	_ =	sdelay $0x1  }
0xf8: {  	v63 =	vmul.f32 v62, v62;
	v0 =	vadd.f32 v61, v0;
	_ =	sdelay $0x1  }
0xf9: {  	v0 =	vadd.f32 v63, v0;
	_ =	sdelay $0x1  }
0xfa: {  	s19 =	sadd.s32 $0x1, s19;
	v0 =	vmul.f32 $4.768371580e-07, v0  }
0xfb: {  	p0 =	sne.s32 s19, s10  }
.Ltmp4:
0xfc: {  	[tilespmem:$0x8200] =	vst v0;
	(pc) =	sbr.rel @p0 .LBB2_1-.Ltmp4, $4  }
0xfd: {  	[hbm4b:s9+s3] =	stream.linear.scatter [tilespmem:s18], [sflag:$0x2], $0x80, $0x38;
	[tilespmem:$0x8280] =	vst v63  }
0xfe: {  	_ =	swait.ge [sflag:s11], $0x80  }
0xff: {  	[sflag:s11] =	ssyncset.done $0x0  }
0x100: {  	[sflag:s11] =	ssyncadd.s32 $0xFFFFFF80  }
0x101: {  	_ =	sfence.sel $0x180000  }
0x102: {  	[bflag:$0x0] =	sbarrier.arrive $0xFFFF  }
0x103: {  	p0 =	sne.s32 s2, $0x0;
	_ =	strace $0x90000047  }
0x104: {  	s0 =	sadd.s32 @!p0 $0x100000, s0;
	[bflag:$0x2] =	sbarrier.arrive $0xFFFF  }
0x105: {  	[sflag:s0] =	ssyncadd.tile.s32 @!p0 $0x1;
	_ =	shalt  }
.Lfunc_end2:
_tile_overlayer_lowered:
.L_overlay_start_2:
0x106: {  	(tag) =	ssettag $0x2  }
0x107: {  	s0 =	rddreg [dreg:$0x0];
	s2 =	stileid.u32  }
0x108: {  	s1 =	rddreg [dreg:$0x1];
	p0 =	sne.s32 s2, $0x0  }
0x109: {  	s3 =	rddreg [dreg:$0x2];
	[bflag:$0x3] =	sbarrier.arrive $0xFFFF;
	s2 =	simm.s32 @!p0 $0x1C02  }
0x10a: {  	[timem:s3], [sflag:s2] =	dma.local @!p0 [hbm:s0], s1  }
0x10b: {  	s0 =	simm.s32 @!p0 $0x2  }
0x10c: {  	_ =	swait.ge @!p0 [sflag:s0], s1  }
0x10d: {  	s1 =	ssub.s32 @!p0 $0x0, s1;
	[sflag:s0] =	ssyncset.done @!p0 $0x0  }
0x10e: {  	[sflag:s0] =	ssyncadd.s32 @!p0 s1  }
0x10f: {  	[bflag:$0x3] =	sbarrier.arrive $0xFFFF  }
0x110: {  	_ =	shalt  }

</sc_bundles>
